<compile_context>
chip_gen: v7x
topology: tpu7x:2x2x1
jax: 0.10.2.dev20260603
libtpu: 0.0.44.dev20260713+nightly
codegen_flags: <defaults>
</compile_context>

<pallas_src>
import jax
import jax.numpy as jnp
from jax import lax
from jax.experimental import pallas as pl
from jax.experimental.pallas import tpu as pltpu
from jax.experimental.pallas import tpu_sc as plsc

_D = 64
_SEQ = 200
_NC = 2
_NS = 16
_NW = _NC * _NS
_BPW = 128
_NV = _D // 16


def _sc_body(table_hbm, xt_hbm, pe_hbm, out_hbm,
             idx_v, pe_v, rows0, rows1, out0, out1, gsem0, gsem1,
             ssem0, ssem1):
    wid = lax.axis_index("s") * _NC + lax.axis_index("c")
    b0 = wid * _BPW

    pltpu.sync_copy(xt_hbm.at[:, pl.ds(b0, _BPW)], idx_v)
    pltpu.sync_copy(pe_hbm, pe_v)

    def fire(l, rows_b, gsem):
        pltpu.async_copy(table_hbm.at[idx_v.at[l]], rows_b, gsem)

    def wait_gather(rows_b, gsem):
        pltpu.make_async_copy(table_hbm.at[pl.ds(0, _BPW)], rows_b,
                              gsem).wait()

    iota = lax.iota(jnp.int32, 16)
    half = lax.shift_right_logical(iota, 1 + 1 + 1)
    r_sub = [half + 2 * s for s in range(_NV)]
    dr_vec = lax.bitwise_and(iota, 7)

    def compute(l, rows_b, out_b):
        pvec = [pe_v[l, pl.ds(s * 16, 16)] for s in range(_NV)]

        @plsc.parallel_loop(0, _BPW, unroll=4)
        def _(b):
            bc = jnp.broadcast_to(b, (16,))
            for s in range(_NV):
                v = rows_b[b, pl.ds(s * 16, 16)] * 8.0 + pvec[s]
                plsc.store_scatter(out_b, [r_sub[s], dr_vec, bc], v)

    def store(l, out_b, ssem):
        pltpu.async_copy(out_b.at[:, :, pl.ds(0, 128)], out_hbm.at[l, :, wid],
                         ssem)

    def wait_store(out_b, ssem):
        pltpu.make_async_copy(out_b.at[:, :, pl.ds(0, 128)],
                              out_hbm.at[0, :, wid], ssem).wait()

    fire(0, rows0, gsem0)

    def loop_body(t, _):
        l = 2 * t
        fire(l + 1, rows1, gsem1)
        wait_gather(rows0, gsem0)

        @pl.when(t > 0)
        def _():
            wait_store(out0, ssem0)
        compute(l, rows0, out0)
        store(l, out0, ssem0)

        @pl.when(l + 2 < _SEQ)
        def _():
            fire(l + 2, rows0, gsem0)
        wait_gather(rows1, gsem1)

        @pl.when(t > 0)
        def _():
            wait_store(out1, ssem1)
        compute(l + 1, rows1, out1)
        store(l + 1, out1, ssem1)
        return ()

    lax.fori_loop(0, _SEQ // 2, loop_body, ())
    wait_store(out0, ssem0)
    wait_store(out1, ssem1)


def kernel(x, table, pe):
    b, seq = x.shape
    assert seq == _SEQ and b == _NW * _BPW
    xt = x.T.astype(jnp.int32)
    pe2 = pe[0, :seq, :]

    mesh = plsc.VectorSubcoreMesh(core_axis_name="c", subcore_axis_name="s",
                                  num_cores=_NC, num_subcores=_NS)
    grid_kernel = pl.kernel(
        _sc_body,
        out_type=jax.ShapeDtypeStruct((_SEQ, _D // 8, b // 128, 8, 128),
                                      jnp.float32),
        mesh=mesh,
        scratch_types=[
            pltpu.VMEM((_SEQ, _BPW), jnp.int32),
            pltpu.VMEM((_SEQ, _D), jnp.float32),
            pltpu.VMEM((_BPW, _D), jnp.float32),
            pltpu.VMEM((_BPW, _D), jnp.float32),
            pltpu.VMEM((_D // 8, 8, 129), jnp.float32),
            pltpu.VMEM((_D // 8, 8, 129), jnp.float32),
            pltpu.SemaphoreType.DMA,
            pltpu.SemaphoreType.DMA,
            pltpu.SemaphoreType.DMA,
            pltpu.SemaphoreType.DMA,
        ],
        compiler_params=pltpu.CompilerParams(use_tc_tiling_on_sc=False,
                                             needs_layout_passes=False),
    )
    out5 = grid_kernel(table, xt, pe2)
    return out5.transpose(2, 4, 0, 1, 3).reshape(b, seq, _D)

# --- scband reference (transcript-rebuilt; emitter-appended) ---
"""Pipeline reference for scband-positional-encoding-25469156065609 (READ-ONLY COPY).

The authoritative reference and input builder live on the scoring server;
editing this copy changes nothing except your own understanding.
"""

import jax, jax.numpy as jnp
import numpy as np
import math

NUM_EMBEDDINGS = 1000000
EMBEDDING_DIM = 64
DIM = 64
MAX_LEN = 5000
BATCH = 4096
SEQ = 200

def _make_pe():
    position = np.arange(0, MAX_LEN).reshape(-1, 1).astype(np.float32)
    div_term = np.exp((np.arange(0, DIM, 2).astype(np.float32)) * -(math.log(10000.0) / DIM))
    pe = np.zeros((MAX_LEN, DIM), dtype=np.float32)
    pe[:, 0::2] = np.sin(position * div_term)
    pe[:, 1::2] = np.cos(position * div_term)
    return jnp.asarray(pe[None, :, :])  # (1, MAX_LEN, DIM)

def setup_inputs(seed: int = 0) -> dict:
    key = jax.random.key(seed)
    k1, k2 = jax.random.split(key)
    x = jax.random.randint(k1, (BATCH, SEQ), 0, NUM_EMBEDDINGS, dtype=jnp.int64 if jax.config.jax_enable_x64 else jnp.int32)
    table = jax.random.normal(k2, (NUM_EMBEDDINGS, EMBEDDING_DIM), dtype=jnp.float32)
    # padding_idx=0 -> zero row, as nn.Embedding does
    table = table.at[0].set(0.0)
    pe = _make_pe()
    return {"x": x, "table": table, "pe": pe}

def reference(x, table, pe):
    # x: int[B, L]; table: float32[V, D]; pe: float32[1, MAX_LEN, D]
    emb = jnp.take(table, x, axis=0)          # gather: [B, L, D]
    emb = emb * math.sqrt(DIM)
    out = emb + pe[:, :x.shape[1]]            # broadcast add of positional encoding
    # dropout_prob = 0.0 -> identity
    return out

if __name__ == "__main__":
    import jax
    _d = setup_inputs()
    print(jax.jit(kernel)(*tuple(_d.values())))

</pallas_src>

<mosaic_0001>
#map = affine_map<(d0, d1) -> (0, 0)>
#map1 = affine_map<(d0, d1) -> (0, 0, 0, 0, 0)>
module attributes {stable_mosaic.version = 14 : i64} {
  func.func @_sc_body(%arg0: i32, %arg1: i32, %arg2: memref<1000000x64xf32, #tpu.memory_space<hbm>>, %arg3: memref<200x4096xi32, #tpu.memory_space<hbm>>, %arg4: memref<200x64xf32, #tpu.memory_space<hbm>>, %arg5: memref<200x8x32x8x128xf32, #tpu.memory_space<hbm>>, %arg6: memref<200x128xi32, #tpu.memory_space<vmem>>, %arg7: memref<200x64xf32, #tpu.memory_space<vmem>>, %arg8: memref<128x64xf32, #tpu.memory_space<vmem>>, %arg9: memref<128x64xf32, #tpu.memory_space<vmem>>, %arg10: memref<8x8x129xf32, #tpu.memory_space<vmem>>, %arg11: memref<8x8x129xf32, #tpu.memory_space<vmem>>, %arg12: memref<!tpu.dma_semaphore, #tpu.memory_space<semaphore_mem>>, %arg13: memref<!tpu.dma_semaphore, #tpu.memory_space<semaphore_mem>>, %arg14: memref<!tpu.dma_semaphore, #tpu.memory_space<semaphore_mem>>, %arg15: memref<!tpu.dma_semaphore, #tpu.memory_space<semaphore_mem>>) attributes {dimension_semantics = [#tpu.dimension_semantics<core_parallel>, #tpu.dimension_semantics<subcore_parallel>], iteration_bounds = array<i64: 2, 16>, scalar_prefetch = 0 : i64, scratch_operands = 10 : i64, tpu.core_type = #tpu.core_type<sc_vector_subcore>, window_params = [{transform_indices = #map}, {transform_indices = #map}, {transform_indices = #map}, {transform_indices = #map1}]} {
    %mul3A = arith.constant 2 : i32
    %mul3A_0 = arith.muli %arg1, %mul3A : i32
    %add3A = arith.addi %mul3A_0, %arg0 : i32
    %mul3A_1 = arith.constant 128 : i32
    %mul3A_2 = arith.muli %add3A, %mul3A_1 : i32
    "tpu.region"() ({
      %run_scoped3A = tpu.sem_alloc : memref<!tpu.dma_semaphore, #tpu.memory_space<semaphore_mem>>
      %dma_start3A_66 = arith.constant 0 : i32
      %dma_start3A_67 = tpu.memref_slice %arg3[%dma_start3A_66, %mul3A_2] : memref<200x4096xi32, #tpu.memory_space<hbm>> -> memref<200x128xi32, #tpu.memory_space<hbm>>
      %dma_start3A_68 = arith.constant 0 : i32
      %dma_start3A_69 = tpu.memref_slice %arg3[%dma_start3A_68, %mul3A_2] : memref<200x4096xi32, #tpu.memory_space<hbm>> -> memref<200x128xi32, #tpu.memory_space<hbm>>
      tpu.enqueue_dma source(%dma_start3A_69 : memref<200x128xi32, #tpu.memory_space<hbm>>) target(%arg6 : memref<200x128xi32, #tpu.memory_space<vmem>>) target_semaphore(%run_scoped3A : memref<!tpu.dma_semaphore, #tpu.memory_space<semaphore_mem>>)
      %dma_wait3A_70 = arith.constant 0 : i32
      %dma_wait3A_71 = tpu.memref_slice %arg3[%dma_wait3A_70, %mul3A_2] : memref<200x4096xi32, #tpu.memory_space<hbm>> -> memref<200x128xi32, #tpu.memory_space<hbm>>
      %dma_wait3A_72 = arith.constant 0 : i32
      %dma_wait3A_73 = tpu.memref_slice %arg3[%dma_wait3A_72, %mul3A_2] : memref<200x4096xi32, #tpu.memory_space<hbm>> -> memref<200x128xi32, #tpu.memory_space<hbm>>
      tpu.wait_dma2 semaphore(%run_scoped3A : memref<!tpu.dma_semaphore, #tpu.memory_space<semaphore_mem>>) src(%dma_wait3A_73 : memref<200x128xi32, #tpu.memory_space<hbm>>) dst(%arg6 : memref<200x128xi32, #tpu.memory_space<vmem>>)
      tpu.yield
    }) : () -> ()
    "tpu.region"() ({
      %run_scoped3A = tpu.sem_alloc : memref<!tpu.dma_semaphore, #tpu.memory_space<semaphore_mem>>
      tpu.enqueue_dma source(%arg4 : memref<200x64xf32, #tpu.memory_space<hbm>>) target(%arg7 : memref<200x64xf32, #tpu.memory_space<vmem>>) target_semaphore(%run_scoped3A : memref<!tpu.dma_semaphore, #tpu.memory_space<semaphore_mem>>)
      tpu.wait_dma2 semaphore(%run_scoped3A : memref<!tpu.dma_semaphore, #tpu.memory_space<semaphore_mem>>) src(%arg4 : memref<200x64xf32, #tpu.memory_space<hbm>>) dst(%arg7 : memref<200x64xf32, #tpu.memory_space<vmem>>)
      tpu.yield
    }) : () -> ()
    %iota3A = tpu.iota {dimensions = array<i32: 0>} : vector<16xi32>
    %shift_right_logical3A = arith.constant 3 : i32
    %shift_right_logical3A_3 = vector.broadcast %shift_right_logical3A : i32 to vector<16xi32>
    %shift_right_logical3A_4 = arith.shrui %iota3A, %shift_right_logical3A_3 : vector<16xi32>
    %add3A_5 = arith.constant 0 : i32
    %add3A_6 = vector.broadcast %add3A_5 : i32 to vector<16xi32>
    %add3A_7 = arith.addi %shift_right_logical3A_4, %add3A_6 : vector<16xi32>
    %add3A_8 = arith.constant 2 : i32
    %add3A_9 = vector.broadcast %add3A_8 : i32 to vector<16xi32>
    %add3A_10 = arith.addi %shift_right_logical3A_4, %add3A_9 : vector<16xi32>
    %add3A_11 = arith.constant 4 : i32
    %add3A_12 = vector.broadcast %add3A_11 : i32 to vector<16xi32>
    %add3A_13 = arith.addi %shift_right_logical3A_4, %add3A_12 : vector<16xi32>
    %add3A_14 = arith.constant 6 : i32
    %add3A_15 = vector.broadcast %add3A_14 : i32 to vector<16xi32>
    %add3A_16 = arith.addi %shift_right_logical3A_4, %add3A_15 : vector<16xi32>
    %and3A = arith.constant 7 : i32
    %and3A_17 = vector.broadcast %and3A : i32 to vector<16xi32>
    %and3A_18 = arith.andi %iota3A, %and3A_17 : vector<16xi32>
    %dma_start3A = arith.constant 0 : i32
    %dma_start3A_19 = arith.constant 0 : i32
    %dma_start3A_20 = tpu.memref_slice %arg6[%dma_start3A, %dma_start3A_19] : memref<200x128xi32, #tpu.memory_space<vmem>> -> memref<1x128xi32, #tpu.memory_space<vmem>>
    %dma_start3A_21 = tpu.memref_squeeze %dma_start3A_20 : memref<1x128xi32, #tpu.memory_space<vmem>> -> memref<128xi32, #tpu.memory_space<vmem>>
    %dma_start3A_22 = arith.constant 0 : i32
    %dma_start3A_23 = arith.constant 0 : i32
    %dma_start3A_24 = tpu.memref_slice %arg2[%dma_start3A_22, %dma_start3A_23] : memref<1000000x64xf32, #tpu.memory_space<hbm>> -> memref<1000000x64xf32, #tpu.memory_space<hbm>>
    tpu.enqueue_indirect_dma source(%dma_start3A_24 : memref<1000000x64xf32, #tpu.memory_space<hbm>>) target(%arg8 : memref<128x64xf32, #tpu.memory_space<vmem>>) offsets(%dma_start3A_21 : memref<128xi32, #tpu.memory_space<vmem>>) semaphore(%arg12 : memref<!tpu.dma_semaphore, #tpu.memory_space<semaphore_mem>>)
    %scan3A = arith.constant 0 : i32
    %scan3A_25 = arith.constant 100 : i32
    %scan3A_26 = arith.addi %scan3A, %scan3A_25 : i32
    %scan3A_27 = arith.constant 1 : i32
    scf.for %scan3A_66 = %scan3A to %scan3A_26 step %scan3A_27  : i32 {
      %mul3A_67 = arith.constant 2 : i32
      %mul3A_68 = arith.muli %mul3A_67, %scan3A_66 : i32
      %add3A_69 = arith.constant 1 : i32
      %add3A_70 = arith.addi %mul3A_68, %add3A_69 : i32
      %dma_start3A_71 = arith.constant 0 : i32
      %dma_start3A_72 = tpu.memref_slice %arg6[%add3A_70, %dma_start3A_71] : memref<200x128xi32, #tpu.memory_space<vmem>> -> memref<1x128xi32, #tpu.memory_space<vmem>>
      %dma_start3A_73 = tpu.memref_squeeze %dma_start3A_72 : memref<1x128xi32, #tpu.memory_space<vmem>> -> memref<128xi32, #tpu.memory_space<vmem>>
      %dma_start3A_74 = arith.constant 0 : i32
      %dma_start3A_75 = arith.constant 0 : i32
      %dma_start3A_76 = tpu.memref_slice %arg2[%dma_start3A_74, %dma_start3A_75] : memref<1000000x64xf32, #tpu.memory_space<hbm>> -> memref<1000000x64xf32, #tpu.memory_space<hbm>>
      tpu.enqueue_indirect_dma source(%dma_start3A_76 : memref<1000000x64xf32, #tpu.memory_space<hbm>>) target(%arg9 : memref<128x64xf32, #tpu.memory_space<vmem>>) offsets(%dma_start3A_73 : memref<128xi32, #tpu.memory_space<vmem>>) semaphore(%arg13 : memref<!tpu.dma_semaphore, #tpu.memory_space<semaphore_mem>>)
      %dma_wait3A_77 = arith.constant 0 : i32
      %dma_wait3A_78 = arith.constant 0 : i32
      %dma_wait3A_79 = tpu.memref_slice %arg2[%dma_wait3A_77, %dma_wait3A_78] : memref<1000000x64xf32, #tpu.memory_space<hbm>> -> memref<128x64xf32, #tpu.memory_space<hbm>>
      %dma_wait3A_80 = arith.constant 0 : i32
      %dma_wait3A_81 = arith.constant 0 : i32
      %dma_wait3A_82 = tpu.memref_slice %arg2[%dma_wait3A_80, %dma_wait3A_81] : memref<1000000x64xf32, #tpu.memory_space<hbm>> -> memref<128x64xf32, #tpu.memory_space<hbm>>
      tpu.wait_dma2 semaphore(%arg12 : memref<!tpu.dma_semaphore, #tpu.memory_space<semaphore_mem>>) src(%dma_wait3A_82 : memref<128x64xf32, #tpu.memory_space<hbm>>) dst(%arg8 : memref<128x64xf32, #tpu.memory_space<vmem>>)
      %gt3A = arith.constant 0 : i32
      %gt3A_83 = arith.cmpi sgt, %scan3A_66, %gt3A : i32
      %convert_element_type3A = arith.extui %gt3A_83 : i1 to i32
      %cond3A = arith.constant 0 : i32
      %cond3A_84 = arith.cmpi ne, %convert_element_type3A, %cond3A : i32
      scf.if %cond3A_84 {
        %dma_wait3A_170 = arith.constant 0 : i32
        %dma_wait3A_171 = arith.constant 0 : i32
        %dma_wait3A_172 = arith.constant 0 : i32
        %dma_wait3A_173 = arith.constant 0 : i32
        %dma_wait3A_174 = tpu.memref_slice %arg10[%dma_wait3A_171, %dma_wait3A_172, %dma_wait3A_173] : memref<8x8x129xf32, #tpu.memory_space<vmem>> -> memref<8x8x128xf32, #tpu.memory_space<vmem>>
        %dma_wait3A_175 = arith.constant 0 : i32
        %dma_wait3A_176 = arith.constant 0 : i32
        %dma_wait3A_177 = arith.constant 0 : i32
        %dma_wait3A_178 = tpu.memref_slice %arg5[%dma_wait3A_170, %dma_wait3A_175, %add3A, %dma_wait3A_176, %dma_wait3A_177] : memref<200x8x32x8x128xf32, #tpu.memory_space<hbm>> -> memref<1x8x1x8x128xf32, #tpu.memory_space<hbm>>
        %dma_wait3A_179 = tpu.memref_squeeze %dma_wait3A_178 : memref<1x8x1x8x128xf32, #tpu.memory_space<hbm>> -> memref<8x8x128xf32, #tpu.memory_space<hbm>>
        %dma_wait3A_180 = arith.constant 0 : i32
        %dma_wait3A_181 = arith.constant 0 : i32
        %dma_wait3A_182 = arith.constant 0 : i32
        %dma_wait3A_183 = tpu.memref_slice %arg5[%dma_wait3A_170, %dma_wait3A_180, %add3A, %dma_wait3A_181, %dma_wait3A_182] : memref<200x8x32x8x128xf32, #tpu.memory_space<hbm>> -> memref<1x8x1x8x128xf32, #tpu.memory_space<hbm>>
        %dma_wait3A_184 = tpu.memref_squeeze %dma_wait3A_183 : memref<1x8x1x8x128xf32, #tpu.memory_space<hbm>> -> memref<8x8x128xf32, #tpu.memory_space<hbm>>
        %dma_wait3A_185 = arith.constant 0 : i32
        %dma_wait3A_186 = arith.constant 0 : i32
        %dma_wait3A_187 = arith.constant 0 : i32
        %dma_wait3A_188 = tpu.memref_slice %arg10[%dma_wait3A_185, %dma_wait3A_186, %dma_wait3A_187] : memref<8x8x129xf32, #tpu.memory_space<vmem>> -> memref<8x8x128xf32, #tpu.memory_space<vmem>>
        tpu.wait_dma2 semaphore(%arg14 : memref<!tpu.dma_semaphore, #tpu.memory_space<semaphore_mem>>) src(%dma_wait3A_188 : memref<8x8x128xf32, #tpu.memory_space<vmem>>) dst(%dma_wait3A_184 : memref<8x8x128xf32, #tpu.memory_space<hbm>>)
      } else {
      }
      %get3A = arith.index_cast %mul3A_68 : i32 to index
      %get3A_85 = arith.constant 0 : index
      %get3A_86 = tpu.vector_load %arg7[%get3A, %get3A_85] {strides = array<i32>} : memref<200x64xf32, #tpu.memory_space<vmem>>, vector<16xf32>,
      %get3A_87 = arith.index_cast %mul3A_68 : i32 to index
      %get3A_88 = arith.constant 16 : index
      %get3A_89 = tpu.vector_load %arg7[%get3A_87, %get3A_88] {strides = array<i32>} : memref<200x64xf32, #tpu.memory_space<vmem>>, vector<16xf32>,
      %get3A_90 = arith.index_cast %mul3A_68 : i32 to index
      %get3A_91 = arith.constant 32 : index
      %get3A_92 = tpu.vector_load %arg7[%get3A_90, %get3A_91] {strides = array<i32>} : memref<200x64xf32, #tpu.memory_space<vmem>>, vector<16xf32>,
      %get3A_93 = arith.index_cast %mul3A_68 : i32 to index
      %get3A_94 = arith.constant 48 : index
      %get3A_95 = tpu.vector_load %arg7[%get3A_93, %get3A_94] {strides = array<i32>} : memref<200x64xf32, #tpu.memory_space<vmem>>, vector<16xf32>,
      %parallel_loop3A = arith.constant 0 : i32
      %parallel_loop3A_96 = arith.constant 128 : i32
      %parallel_loop3A_97 = arith.constant 1 : i32
      scf.for %parallel_loop3A_170 = %parallel_loop3A to %parallel_loop3A_96 step %parallel_loop3A_97  : i32 {
        %parallel_loop3A_171 = vector.broadcast %parallel_loop3A_170 : i32 to vector<16xi32>
        %parallel_loop3A_172 = arith.index_cast %parallel_loop3A_170 : i32 to index
        %parallel_loop3A_173 = arith.constant 0 : index
        %parallel_loop3A_174 = tpu.vector_load %arg8[%parallel_loop3A_172, %parallel_loop3A_173] {strides = array<i32>} : memref<128x64xf32, #tpu.memory_space<vmem>>, vector<16xf32>,
        %parallel_loop3A_175 = arith.constant 8.000000e+00 : f32
        %parallel_loop3A_176 = vector.broadcast %parallel_loop3A_175 : f32 to vector<16xf32>
        %parallel_loop3A_177 = arith.mulf %parallel_loop3A_174, %parallel_loop3A_176 : vector<16xf32>
        %parallel_loop3A_178 = arith.addf %parallel_loop3A_177, %get3A_86 : vector<16xf32>
        tpu.vector_store_idx %arg10[%add3A_7, %and3A_18, %parallel_loop3A_171], %parallel_loop3A_178 : memref<8x8x129xf32, #tpu.memory_space<vmem>>[vector<16xi32>, vector<16xi32>, vector<16xi32>], vector<16xf32>,
        %parallel_loop3A_179 = arith.index_cast %parallel_loop3A_170 : i32 to index
        %parallel_loop3A_180 = arith.constant 16 : index
        %parallel_loop3A_181 = tpu.vector_load %arg8[%parallel_loop3A_179, %parallel_loop3A_180] {strides = array<i32>} : memref<128x64xf32, #tpu.memory_space<vmem>>, vector<16xf32>,
        %parallel_loop3A_182 = arith.constant 8.000000e+00 : f32
        %parallel_loop3A_183 = vector.broadcast %parallel_loop3A_182 : f32 to vector<16xf32>
        %parallel_loop3A_184 = arith.mulf %parallel_loop3A_181, %parallel_loop3A_183 : vector<16xf32>
        %parallel_loop3A_185 = arith.addf %parallel_loop3A_184, %get3A_89 : vector<16xf32>
        tpu.vector_store_idx %arg10[%add3A_10, %and3A_18, %parallel_loop3A_171], %parallel_loop3A_185 : memref<8x8x129xf32, #tpu.memory_space<vmem>>[vector<16xi32>, vector<16xi32>, vector<16xi32>], vector<16xf32>,
        %parallel_loop3A_186 = arith.index_cast %parallel_loop3A_170 : i32 to index
        %parallel_loop3A_187 = arith.constant 32 : index
        %parallel_loop3A_188 = tpu.vector_load %arg8[%parallel_loop3A_186, %parallel_loop3A_187] {strides = array<i32>} : memref<128x64xf32, #tpu.memory_space<vmem>>, vector<16xf32>,
        %parallel_loop3A_189 = arith.constant 8.000000e+00 : f32
        %parallel_loop3A_190 = vector.broadcast %parallel_loop3A_189 : f32 to vector<16xf32>
        %parallel_loop3A_191 = arith.mulf %parallel_loop3A_188, %parallel_loop3A_190 : vector<16xf32>
        %parallel_loop3A_192 = arith.addf %parallel_loop3A_191, %get3A_92 : vector<16xf32>
        tpu.vector_store_idx %arg10[%add3A_13, %and3A_18, %parallel_loop3A_171], %parallel_loop3A_192 : memref<8x8x129xf32, #tpu.memory_space<vmem>>[vector<16xi32>, vector<16xi32>, vector<16xi32>], vector<16xf32>,
        %parallel_loop3A_193 = arith.index_cast %parallel_loop3A_170 : i32 to index
        %parallel_loop3A_194 = arith.constant 48 : index
        %parallel_loop3A_195 = tpu.vector_load %arg8[%parallel_loop3A_193, %parallel_loop3A_194] {strides = array<i32>} : memref<128x64xf32, #tpu.memory_space<vmem>>, vector<16xf32>,
        %parallel_loop3A_196 = arith.constant 8.000000e+00 : f32
        %parallel_loop3A_197 = vector.broadcast %parallel_loop3A_196 : f32 to vector<16xf32>
        %parallel_loop3A_198 = arith.mulf %parallel_loop3A_195, %parallel_loop3A_197 : vector<16xf32>
        %parallel_loop3A_199 = arith.addf %parallel_loop3A_198, %get3A_95 : vector<16xf32>
        tpu.vector_store_idx %arg10[%add3A_16, %and3A_18, %parallel_loop3A_171], %parallel_loop3A_199 : memref<8x8x129xf32, #tpu.memory_space<vmem>>[vector<16xi32>, vector<16xi32>, vector<16xi32>], vector<16xf32>,
      } {sc.loop_unroll_factor = 4 : i64, sc.parallel_access}
      %dma_start3A_98 = arith.constant 0 : i32
      %dma_start3A_99 = arith.constant 0 : i32
      %dma_start3A_100 = arith.constant 0 : i32
      %dma_start3A_101 = tpu.memref_slice %arg10[%dma_start3A_98, %dma_start3A_99, %dma_start3A_100] : memref<8x8x129xf32, #tpu.memory_space<vmem>> -> memref<8x8x128xf32, #tpu.memory_space<vmem>>
      %dma_start3A_102 = arith.constant 0 : i32
      %dma_start3A_103 = arith.constant 0 : i32
      %dma_start3A_104 = arith.constant 0 : i32
      %dma_start3A_105 = tpu.memref_slice %arg5[%mul3A_68, %dma_start3A_102, %add3A, %dma_start3A_103, %dma_start3A_104] : memref<200x8x32x8x128xf32, #tpu.memory_space<hbm>> -> memref<1x8x1x8x128xf32, #tpu.memory_space<hbm>>
      %dma_start3A_106 = tpu.memref_squeeze %dma_start3A_105 : memref<1x8x1x8x128xf32, #tpu.memory_space<hbm>> -> memref<8x8x128xf32, #tpu.memory_space<hbm>>
      %dma_start3A_107 = arith.constant 0 : i32
      %dma_start3A_108 = arith.constant 0 : i32
      %dma_start3A_109 = arith.constant 0 : i32
      %dma_start3A_110 = tpu.memref_slice %arg5[%mul3A_68, %dma_start3A_107, %add3A, %dma_start3A_108, %dma_start3A_109] : memref<200x8x32x8x128xf32, #tpu.memory_space<hbm>> -> memref<1x8x1x8x128xf32, #tpu.memory_space<hbm>>
      %dma_start3A_111 = tpu.memref_squeeze %dma_start3A_110 : memref<1x8x1x8x128xf32, #tpu.memory_space<hbm>> -> memref<8x8x128xf32, #tpu.memory_space<hbm>>
      %dma_start3A_112 = arith.constant 0 : i32
      %dma_start3A_113 = arith.constant 0 : i32
      %dma_start3A_114 = arith.constant 0 : i32
      %dma_start3A_115 = tpu.memref_slice %arg10[%dma_start3A_112, %dma_start3A_113, %dma_start3A_114] : memref<8x8x129xf32, #tpu.memory_space<vmem>> -> memref<8x8x128xf32, #tpu.memory_space<vmem>>
      tpu.enqueue_dma source(%dma_start3A_115 : memref<8x8x128xf32, #tpu.memory_space<vmem>>) target(%dma_start3A_111 : memref<8x8x128xf32, #tpu.memory_space<hbm>>) target_semaphore(%arg14 : memref<!tpu.dma_semaphore, #tpu.memory_space<semaphore_mem>>)
      %add3A_116 = arith.constant 2 : i32
      %add3A_117 = arith.addi %mul3A_68, %add3A_116 : i32
      %lt3A = arith.constant 200 : i32
      %lt3A_118 = arith.cmpi slt, %add3A_117, %lt3A : i32
      %convert_element_type3A_119 = arith.extui %lt3A_118 : i1 to i32
      %cond3A_120 = arith.constant 0 : i32
      %cond3A_121 = arith.cmpi ne, %convert_element_type3A_119, %cond3A_120 : i32
      scf.if %cond3A_121 {
        %add3A_170 = arith.constant 2 : i32
        %add3A_171 = arith.addi %mul3A_68, %add3A_170 : i32
        %dma_start3A_172 = arith.constant 0 : i32
        %dma_start3A_173 = tpu.memref_slice %arg6[%add3A_171, %dma_start3A_172] : memref<200x128xi32, #tpu.memory_space<vmem>> -> memref<1x128xi32, #tpu.memory_space<vmem>>
        %dma_start3A_174 = tpu.memref_squeeze %dma_start3A_173 : memref<1x128xi32, #tpu.memory_space<vmem>> -> memref<128xi32, #tpu.memory_space<vmem>>
        %dma_start3A_175 = arith.constant 0 : i32
        %dma_start3A_176 = arith.constant 0 : i32
        %dma_start3A_177 = tpu.memref_slice %arg2[%dma_start3A_175, %dma_start3A_176] : memref<1000000x64xf32, #tpu.memory_space<hbm>> -> memref<1000000x64xf32, #tpu.memory_space<hbm>>
        tpu.enqueue_indirect_dma source(%dma_start3A_177 : memref<1000000x64xf32, #tpu.memory_space<hbm>>) target(%arg8 : memref<128x64xf32, #tpu.memory_space<vmem>>) offsets(%dma_start3A_174 : memref<128xi32, #tpu.memory_space<vmem>>) semaphore(%arg12 : memref<!tpu.dma_semaphore, #tpu.memory_space<semaphore_mem>>)
      } else {
      }
      %dma_wait3A_122 = arith.constant 0 : i32
      %dma_wait3A_123 = arith.constant 0 : i32
      %dma_wait3A_124 = tpu.memref_slice %arg2[%dma_wait3A_122, %dma_wait3A_123] : memref<1000000x64xf32, #tpu.memory_space<hbm>> -> memref<128x64xf32, #tpu.memory_space<hbm>>
      %dma_wait3A_125 = arith.constant 0 : i32
      %dma_wait3A_126 = arith.constant 0 : i32
      %dma_wait3A_127 = tpu.memref_slice %arg2[%dma_wait3A_125, %dma_wait3A_126] : memref<1000000x64xf32, #tpu.memory_space<hbm>> -> memref<128x64xf32, #tpu.memory_space<hbm>>
      tpu.wait_dma2 semaphore(%arg13 : memref<!tpu.dma_semaphore, #tpu.memory_space<semaphore_mem>>) src(%dma_wait3A_127 : memref<128x64xf32, #tpu.memory_space<hbm>>) dst(%arg9 : memref<128x64xf32, #tpu.memory_space<vmem>>)
      %gt3A_128 = arith.constant 0 : i32
      %gt3A_129 = arith.cmpi sgt, %scan3A_66, %gt3A_128 : i32
      %convert_element_type3A_130 = arith.extui %gt3A_129 : i1 to i32
      %cond3A_131 = arith.constant 0 : i32
      %cond3A_132 = arith.cmpi ne, %convert_element_type3A_130, %cond3A_131 : i32
      scf.if %cond3A_132 {
        %dma_wait3A_170 = arith.constant 0 : i32
        %dma_wait3A_171 = arith.constant 0 : i32
        %dma_wait3A_172 = arith.constant 0 : i32
        %dma_wait3A_173 = arith.constant 0 : i32
        %dma_wait3A_174 = tpu.memref_slice %arg11[%dma_wait3A_171, %dma_wait3A_172, %dma_wait3A_173] : memref<8x8x129xf32, #tpu.memory_space<vmem>> -> memref<8x8x128xf32, #tpu.memory_space<vmem>>
        %dma_wait3A_175 = arith.constant 0 : i32
        %dma_wait3A_176 = arith.constant 0 : i32
        %dma_wait3A_177 = arith.constant 0 : i32
        %dma_wait3A_178 = tpu.memref_slice %arg5[%dma_wait3A_170, %dma_wait3A_175, %add3A, %dma_wait3A_176, %dma_wait3A_177] : memref<200x8x32x8x128xf32, #tpu.memory_space<hbm>> -> memref<1x8x1x8x128xf32, #tpu.memory_space<hbm>>
        %dma_wait3A_179 = tpu.memref_squeeze %dma_wait3A_178 : memref<1x8x1x8x128xf32, #tpu.memory_space<hbm>> -> memref<8x8x128xf32, #tpu.memory_space<hbm>>
        %dma_wait3A_180 = arith.constant 0 : i32
        %dma_wait3A_181 = arith.constant 0 : i32
        %dma_wait3A_182 = arith.constant 0 : i32
        %dma_wait3A_183 = tpu.memref_slice %arg5[%dma_wait3A_170, %dma_wait3A_180, %add3A, %dma_wait3A_181, %dma_wait3A_182] : memref<200x8x32x8x128xf32, #tpu.memory_space<hbm>> -> memref<1x8x1x8x128xf32, #tpu.memory_space<hbm>>
        %dma_wait3A_184 = tpu.memref_squeeze %dma_wait3A_183 : memref<1x8x1x8x128xf32, #tpu.memory_space<hbm>> -> memref<8x8x128xf32, #tpu.memory_space<hbm>>
        %dma_wait3A_185 = arith.constant 0 : i32
        %dma_wait3A_186 = arith.constant 0 : i32
        %dma_wait3A_187 = arith.constant 0 : i32
        %dma_wait3A_188 = tpu.memref_slice %arg11[%dma_wait3A_185, %dma_wait3A_186, %dma_wait3A_187] : memref<8x8x129xf32, #tpu.memory_space<vmem>> -> memref<8x8x128xf32, #tpu.memory_space<vmem>>
        tpu.wait_dma2 semaphore(%arg15 : memref<!tpu.dma_semaphore, #tpu.memory_space<semaphore_mem>>) src(%dma_wait3A_188 : memref<8x8x128xf32, #tpu.memory_space<vmem>>) dst(%dma_wait3A_184 : memref<8x8x128xf32, #tpu.memory_space<hbm>>)
      } else {
      }
      %add3A_133 = arith.constant 1 : i32
      %add3A_134 = arith.addi %mul3A_68, %add3A_133 : i32
      %get3A_135 = arith.index_cast %add3A_134 : i32 to index
      %get3A_136 = arith.constant 0 : index
      %get3A_137 = tpu.vector_load %arg7[%get3A_135, %get3A_136] {strides = array<i32>} : memref<200x64xf32, #tpu.memory_space<vmem>>, vector<16xf32>,
      %get3A_138 = arith.index_cast %add3A_134 : i32 to index
      %get3A_139 = arith.constant 16 : index
      %get3A_140 = tpu.vector_load %arg7[%get3A_138, %get3A_139] {strides = array<i32>} : memref<200x64xf32, #tpu.memory_space<vmem>>, vector<16xf32>,
      %get3A_141 = arith.index_cast %add3A_134 : i32 to index
      %get3A_142 = arith.constant 32 : index
      %get3A_143 = tpu.vector_load %arg7[%get3A_141, %get3A_142] {strides = array<i32>} : memref<200x64xf32, #tpu.memory_space<vmem>>, vector<16xf32>,
      %get3A_144 = arith.index_cast %add3A_134 : i32 to index
      %get3A_145 = arith.constant 48 : index
      %get3A_146 = tpu.vector_load %arg7[%get3A_144, %get3A_145] {strides = array<i32>} : memref<200x64xf32, #tpu.memory_space<vmem>>, vector<16xf32>,
      %parallel_loop3A_147 = arith.constant 0 : i32
      %parallel_loop3A_148 = arith.constant 128 : i32
      %parallel_loop3A_149 = arith.constant 1 : i32
      scf.for %parallel_loop3A_170 = %parallel_loop3A_147 to %parallel_loop3A_148 step %parallel_loop3A_149  : i32 {
        %parallel_loop3A_171 = vector.broadcast %parallel_loop3A_170 : i32 to vector<16xi32>
        %parallel_loop3A_172 = arith.index_cast %parallel_loop3A_170 : i32 to index
        %parallel_loop3A_173 = arith.constant 0 : index
        %parallel_loop3A_174 = tpu.vector_load %arg9[%parallel_loop3A_172, %parallel_loop3A_173] {strides = array<i32>} : memref<128x64xf32, #tpu.memory_space<vmem>>, vector<16xf32>,
        %parallel_loop3A_175 = arith.constant 8.000000e+00 : f32
        %parallel_loop3A_176 = vector.broadcast %parallel_loop3A_175 : f32 to vector<16xf32>
        %parallel_loop3A_177 = arith.mulf %parallel_loop3A_174, %parallel_loop3A_176 : vector<16xf32>
        %parallel_loop3A_178 = arith.addf %parallel_loop3A_177, %get3A_137 : vector<16xf32>
        tpu.vector_store_idx %arg11[%add3A_7, %and3A_18, %parallel_loop3A_171], %parallel_loop3A_178 : memref<8x8x129xf32, #tpu.memory_space<vmem>>[vector<16xi32>, vector<16xi32>, vector<16xi32>], vector<16xf32>,
        %parallel_loop3A_179 = arith.index_cast %parallel_loop3A_170 : i32 to index
        %parallel_loop3A_180 = arith.constant 16 : index
        %parallel_loop3A_181 = tpu.vector_load %arg9[%parallel_loop3A_179, %parallel_loop3A_180] {strides = array<i32>} : memref<128x64xf32, #tpu.memory_space<vmem>>, vector<16xf32>,
        %parallel_loop3A_182 = arith.constant 8.000000e+00 : f32
        %parallel_loop3A_183 = vector.broadcast %parallel_loop3A_182 : f32 to vector<16xf32>
        %parallel_loop3A_184 = arith.mulf %parallel_loop3A_181, %parallel_loop3A_183 : vector<16xf32>
        %parallel_loop3A_185 = arith.addf %parallel_loop3A_184, %get3A_140 : vector<16xf32>
        tpu.vector_store_idx %arg11[%add3A_10, %and3A_18, %parallel_loop3A_171], %parallel_loop3A_185 : memref<8x8x129xf32, #tpu.memory_space<vmem>>[vector<16xi32>, vector<16xi32>, vector<16xi32>], vector<16xf32>,
        %parallel_loop3A_186 = arith.index_cast %parallel_loop3A_170 : i32 to index
        %parallel_loop3A_187 = arith.constant 32 : index
        %parallel_loop3A_188 = tpu.vector_load %arg9[%parallel_loop3A_186, %parallel_loop3A_187] {strides = array<i32>} : memref<128x64xf32, #tpu.memory_space<vmem>>, vector<16xf32>,
        %parallel_loop3A_189 = arith.constant 8.000000e+00 : f32
        %parallel_loop3A_190 = vector.broadcast %parallel_loop3A_189 : f32 to vector<16xf32>
        %parallel_loop3A_191 = arith.mulf %parallel_loop3A_188, %parallel_loop3A_190 : vector<16xf32>
        %parallel_loop3A_192 = arith.addf %parallel_loop3A_191, %get3A_143 : vector<16xf32>
        tpu.vector_store_idx %arg11[%add3A_13, %and3A_18, %parallel_loop3A_171], %parallel_loop3A_192 : memref<8x8x129xf32, #tpu.memory_space<vmem>>[vector<16xi32>, vector<16xi32>, vector<16xi32>], vector<16xf32>,
        %parallel_loop3A_193 = arith.index_cast %parallel_loop3A_170 : i32 to index
        %parallel_loop3A_194 = arith.constant 48 : index
        %parallel_loop3A_195 = tpu.vector_load %arg9[%parallel_loop3A_193, %parallel_loop3A_194] {strides = array<i32>} : memref<128x64xf32, #tpu.memory_space<vmem>>, vector<16xf32>,
        %parallel_loop3A_196 = arith.constant 8.000000e+00 : f32
        %parallel_loop3A_197 = vector.broadcast %parallel_loop3A_196 : f32 to vector<16xf32>
        %parallel_loop3A_198 = arith.mulf %parallel_loop3A_195, %parallel_loop3A_197 : vector<16xf32>
        %parallel_loop3A_199 = arith.addf %parallel_loop3A_198, %get3A_146 : vector<16xf32>
        tpu.vector_store_idx %arg11[%add3A_16, %and3A_18, %parallel_loop3A_171], %parallel_loop3A_199 : memref<8x8x129xf32, #tpu.memory_space<vmem>>[vector<16xi32>, vector<16xi32>, vector<16xi32>], vector<16xf32>,
      } {sc.loop_unroll_factor = 4 : i64, sc.parallel_access}
      %add3A_150 = arith.constant 1 : i32
      %add3A_151 = arith.addi %mul3A_68, %add3A_150 : i32
      %dma_start3A_152 = arith.constant 0 : i32
      %dma_start3A_153 = arith.constant 0 : i32
      %dma_start3A_154 = arith.constant 0 : i32
      %dma_start3A_155 = tpu.memref_slice %arg11[%dma_start3A_152, %dma_start3A_153, %dma_start3A_154] : memref<8x8x129xf32, #tpu.memory_space<vmem>> -> memref<8x8x128xf32, #tpu.memory_space<vmem>>
      %dma_start3A_156 = arith.constant 0 : i32
      %dma_start3A_157 = arith.constant 0 : i32
      %dma_start3A_158 = arith.constant 0 : i32
      %dma_start3A_159 = tpu.memref_slice %arg5[%add3A_151, %dma_start3A_156, %add3A, %dma_start3A_157, %dma_start3A_158] : memref<200x8x32x8x128xf32, #tpu.memory_space<hbm>> -> memref<1x8x1x8x128xf32, #tpu.memory_space<hbm>>
      %dma_start3A_160 = tpu.memref_squeeze %dma_start3A_159 : memref<1x8x1x8x128xf32, #tpu.memory_space<hbm>> -> memref<8x8x128xf32, #tpu.memory_space<hbm>>
      %dma_start3A_161 = arith.constant 0 : i32
      %dma_start3A_162 = arith.constant 0 : i32
      %dma_start3A_163 = arith.constant 0 : i32
      %dma_start3A_164 = tpu.memref_slice %arg5[%add3A_151, %dma_start3A_161, %add3A, %dma_start3A_162, %dma_start3A_163] : memref<200x8x32x8x128xf32, #tpu.memory_space<hbm>> -> memref<1x8x1x8x128xf32, #tpu.memory_space<hbm>>
      %dma_start3A_165 = tpu.memref_squeeze %dma_start3A_164 : memref<1x8x1x8x128xf32, #tpu.memory_space<hbm>> -> memref<8x8x128xf32, #tpu.memory_space<hbm>>
      %dma_start3A_166 = arith.constant 0 : i32
      %dma_start3A_167 = arith.constant 0 : i32
      %dma_start3A_168 = arith.constant 0 : i32
      %dma_start3A_169 = tpu.memref_slice %arg11[%dma_start3A_166, %dma_start3A_167, %dma_start3A_168] : memref<8x8x129xf32, #tpu.memory_space<vmem>> -> memref<8x8x128xf32, #tpu.memory_space<vmem>>
      tpu.enqueue_dma source(%dma_start3A_169 : memref<8x8x128xf32, #tpu.memory_space<vmem>>) target(%dma_start3A_165 : memref<8x8x128xf32, #tpu.memory_space<hbm>>) target_semaphore(%arg15 : memref<!tpu.dma_semaphore, #tpu.memory_space<semaphore_mem>>)
    }
    %scan3A_28 = arith.constant 100 : i32
    %dma_wait3A = arith.constant 0 : i32
    %dma_wait3A_29 = arith.constant 0 : i32
    %dma_wait3A_30 = arith.constant 0 : i32
    %dma_wait3A_31 = arith.constant 0 : i32
    %dma_wait3A_32 = tpu.memref_slice %arg10[%dma_wait3A_29, %dma_wait3A_30, %dma_wait3A_31] : memref<8x8x129xf32, #tpu.memory_space<vmem>> -> memref<8x8x128xf32, #tpu.memory_space<vmem>>
    %dma_wait3A_33 = arith.constant 0 : i32
    %dma_wait3A_34 = arith.constant 0 : i32
    %dma_wait3A_35 = arith.constant 0 : i32
    %dma_wait3A_36 = tpu.memref_slice %arg5[%dma_wait3A, %dma_wait3A_33, %add3A, %dma_wait3A_34, %dma_wait3A_35] : memref<200x8x32x8x128xf32, #tpu.memory_space<hbm>> -> memref<1x8x1x8x128xf32, #tpu.memory_space<hbm>>
    %dma_wait3A_37 = tpu.memref_squeeze %dma_wait3A_36 : memref<1x8x1x8x128xf32, #tpu.memory_space<hbm>> -> memref<8x8x128xf32, #tpu.memory_space<hbm>>
    %dma_wait3A_38 = arith.constant 0 : i32
    %dma_wait3A_39 = arith.constant 0 : i32
    %dma_wait3A_40 = arith.constant 0 : i32
    %dma_wait3A_41 = tpu.memref_slice %arg5[%dma_wait3A, %dma_wait3A_38, %add3A, %dma_wait3A_39, %dma_wait3A_40] : memref<200x8x32x8x128xf32, #tpu.memory_space<hbm>> -> memref<1x8x1x8x128xf32, #tpu.memory_space<hbm>>
    %dma_wait3A_42 = tpu.memref_squeeze %dma_wait3A_41 : memref<1x8x1x8x128xf32, #tpu.memory_space<hbm>> -> memref<8x8x128xf32, #tpu.memory_space<hbm>>
    %dma_wait3A_43 = arith.constant 0 : i32
    %dma_wait3A_44 = arith.constant 0 : i32
    %dma_wait3A_45 = arith.constant 0 : i32
    %dma_wait3A_46 = tpu.memref_slice %arg10[%dma_wait3A_43, %dma_wait3A_44, %dma_wait3A_45] : memref<8x8x129xf32, #tpu.memory_space<vmem>> -> memref<8x8x128xf32, #tpu.memory_space<vmem>>
    tpu.wait_dma2 semaphore(%arg14 : memref<!tpu.dma_semaphore, #tpu.memory_space<semaphore_mem>>) src(%dma_wait3A_46 : memref<8x8x128xf32, #tpu.memory_space<vmem>>) dst(%dma_wait3A_42 : memref<8x8x128xf32, #tpu.memory_space<hbm>>)
    %dma_wait3A_47 = arith.constant 0 : i32
    %dma_wait3A_48 = arith.constant 0 : i32
    %dma_wait3A_49 = arith.constant 0 : i32
    %dma_wait3A_50 = arith.constant 0 : i32
    %dma_wait3A_51 = tpu.memref_slice %arg11[%dma_wait3A_48, %dma_wait3A_49, %dma_wait3A_50] : memref<8x8x129xf32, #tpu.memory_space<vmem>> -> memref<8x8x128xf32, #tpu.memory_space<vmem>>
    %dma_wait3A_52 = arith.constant 0 : i32
    %dma_wait3A_53 = arith.constant 0 : i32
    %dma_wait3A_54 = arith.constant 0 : i32
    %dma_wait3A_55 = tpu.memref_slice %arg5[%dma_wait3A_47, %dma_wait3A_52, %add3A, %dma_wait3A_53, %dma_wait3A_54] : memref<200x8x32x8x128xf32, #tpu.memory_space<hbm>> -> memref<1x8x1x8x128xf32, #tpu.memory_space<hbm>>
    %dma_wait3A_56 = tpu.memref_squeeze %dma_wait3A_55 : memref<1x8x1x8x128xf32, #tpu.memory_space<hbm>> -> memref<8x8x128xf32, #tpu.memory_space<hbm>>
    %dma_wait3A_57 = arith.constant 0 : i32
    %dma_wait3A_58 = arith.constant 0 : i32
    %dma_wait3A_59 = arith.constant 0 : i32
    %dma_wait3A_60 = tpu.memref_slice %arg5[%dma_wait3A_47, %dma_wait3A_57, %add3A, %dma_wait3A_58, %dma_wait3A_59] : memref<200x8x32x8x128xf32, #tpu.memory_space<hbm>> -> memref<1x8x1x8x128xf32, #tpu.memory_space<hbm>>
    %dma_wait3A_61 = tpu.memref_squeeze %dma_wait3A_60 : memref<1x8x1x8x128xf32, #tpu.memory_space<hbm>> -> memref<8x8x128xf32, #tpu.memory_space<hbm>>
    %dma_wait3A_62 = arith.constant 0 : i32
    %dma_wait3A_63 = arith.constant 0 : i32
    %dma_wait3A_64 = arith.constant 0 : i32
    %dma_wait3A_65 = tpu.memref_slice %arg11[%dma_wait3A_62, %dma_wait3A_63, %dma_wait3A_64] : memref<8x8x129xf32, #tpu.memory_space<vmem>> -> memref<8x8x128xf32, #tpu.memory_space<vmem>>
    tpu.wait_dma2 semaphore(%arg15 : memref<!tpu.dma_semaphore, #tpu.memory_space<semaphore_mem>>) src(%dma_wait3A_65 : memref<8x8x128xf32, #tpu.memory_space<vmem>>) dst(%dma_wait3A_61 : memref<8x8x128xf32, #tpu.memory_space<hbm>>)
    return
  }
}

</mosaic_0001>

<sc_bundles>
// kernel: kernel.3.cloned.1.call-start
scs
__scs_entry_jumppad:
0x0: {  	(pc) =	sbr.rel $0x88, $3  }
0x1: {  	(tag) =	ssettag $0x0;
	lr =	simm.s32 $0x1  }
0x2: {  	[smem:$0x3F9E] =	sst lr;
	_ =	strace $0xD0000000  }
0x3: {  	_ = 	snop  }
0x4: {  	_ = 	snop  }
0x5: {  	_ = 	snop  }
0x6: {  	_ = 	snop  }
0x7: {  	_ = 	snop  }
__scs_overlays_trampoline_lowered:
0x8: {  	[smem:$0x3FAD] =	sst s0  }
0x9: {  	[smem:$0x3FAE] =	sst s1  }
0xa: {  	[smem:$0x3FAF] =	sst s2  }
0xb: {  	[smem:$0x3FB0] =	sst s3  }
0xc: {  	[smem:$0x3FB1] =	sst s4  }
0xd: {  	[smem:$0x3FB2] =	sst s5  }
0xe: {  	[smem:$0x3FB3] =	sst s6  }
0xf: {  	[smem:$0x3FB4] =	sst s7  }
0x10: {  	[smem:$0x3FB5] =	sst s8  }
0x11: {  	[smem:$0x3FB6] =	sst s9;
	s0 =	simm.s32 @!p0 $0x0  }
0x12: {  	s1 =	sld [smem:$0x3F9C];
	s0 =	simm.s32 @p0 $0x1  }
0x13: {  	[smem:$0x3FB7] =	sst s0;
	s0 =	simm.s32 @!p1 $0x0  }
0x14: {  	s2 =	sld [smem:$0x3F9B];
	s0 =	simm.s32 @p1 $0x1  }
0x15: {  	[smem:$0x3FB8] =	sst s0;
	s0 =	simm.s32 @!p2 $0x0  }
0x16: {  	s3 =	sld [smem:$0x3FDB];
	s0 =	simm.s32 @p2 $0x1  }
0x17: {  	s4 =	simm.s32 $0x1BF5;
	[smem:$0x3FBA] =	sst s0  }
0x18: {  	s0 =	sld [smem:$0x3F9D];
	_ =	swait.ge [sflag:s4], $0x0  }
0x19: {  	s7 =	sld [smem:$0x3F9E]  }
0x1a: {  	s8 =	sadd.s32 $0xFFFFE003, lr  }
0x1b: {  	s9 =	sadd.s32 $0xFFFFFEF7, lr;
	s5 =	simm.s32 $0xFFFFFFFF;
	p2 =	slt.u32 s8, $0xFFFFF086  }
0x1c: {  	p1 =	slt.u32 s9, $0xF7A;
	s5 =	simm.s32 @!p2 $0x0  }
0x1d: {  	s5 =	simm.s32 @p1 $0x1;
	p0 =	seq.s32 s7, s2  }
0x1e: {  	s7 =	smul.u32 @!p0 $0xF7A, s2;
	p2 =	seq.s32 @!p0 s5, $0x0  }
0x1f: {  	s9 =	smul.u32 $0xF7A, s1;
	s8 =	simm.s32 @!p0 $0x1BF5;
	p2 =	por !p2, p0  }
0x20: {  	[sflag:s8] =	ssyncset.s32 @!p0 $0xFFFFF086;
	s6 =	sadd.s32 @!p0 s3, s7;
	s7 =	simm.s32 @!p0 $0x108  }
0x21: {  	s3 =	sadd.s32 s3, s9;
	s6 =	sadd.s32 @!p0 $0x88, s6;
	s7 =	simm.s32 @p2 $0x1082  }
0x22: {  	[simem:s7], [sflag:s8] =	dma.local @!p0 [hbm:s6], $0xF7A  }
0x23: {  	s9 =	sor.u32 $0xD0000000, s2;
	s6 =	simm.s32 $0x108;
	_ =	swait.ge @!p0 [sflag:s8], $0x0  }
0x24: {  	s3 =	sadd.s32 $0x88, s3;
	s6 =	simm.s32 @!p1 $0x1082;
	[sflag:s4] =	ssyncset.s32 $0xFFFFF086  }
0x25: {  	[simem:s6], [sflag:s4] =	dma.local [hbm:s3], $0xF7A  }
0x26: {  	[smem:$0x3F9E] =	sst s1;
	(tag) =	ssettag s2;
	_ =	strace s9  }
0x27: {  	s1 =	sld [smem:$0x3FAE]  }
0x28: {  	s2 =	sld [smem:$0x3FAF]  }
0x29: {  	s4 =	sld [smem:$0x3FB1]  }
0x2a: {  	p0 =	seq.s32 s5, $0x0;
	s5 =	sld [smem:$0x3FB2]  }
0x2b: {  	s6 =	sld [smem:$0x3FB3]  }
0x2c: {  	s7 =	sld [smem:$0x3FB4]  }
0x2d: {  	s3 =	simm.s32 $0x108;
	s8 =	sld [smem:$0x3FB5]  }
0x2e: {  	s3 =	simm.s32 @!p0 $0x1082;
	s9 =	sld [smem:$0x3FB6]  }
0x2f: {  	lr =	sadd.s32 s0, s3;
	s0 =	sld [smem:$0x3FAD]  }
0x30: {  	s3 =	sld [smem:$0x3FB0]  }
0x31: {  	[smem:$0x3FB9] =	sst s10  }
0x32: {  	s10 =	sld [smem:$0x3FB7];
	_ =	sdelay $0x3  }
0x33: {  	p0 =	seq.s32 s10, $0x1;
	s10 =	sld [smem:$0x3FB9];
	_ =	sdelay $0x3  }
0x34: {  	[smem:$0x3FB9] =	sst s10  }
0x35: {  	s10 =	sld [smem:$0x3FB8];
	_ =	sdelay $0x3  }
0x36: {  	p1 =	seq.s32 s10, $0x1;
	s10 =	sld [smem:$0x3FB9];
	_ =	sdelay $0x3  }
0x37: {  	[smem:$0x3FB9] =	sst s10  }
0x38: {  	s10 =	sld [smem:$0x3FBA]  }
0x39: {  	_ = 	snop;
	(pc) =	sbr.ind lr, $3  }
0x3a: {  	_ = 	snop  }
0x3b: {  	_ = 	snop  }
0x3c: {  	p2 =	seq.s32 s10, $0x1;
	s10 =	sld [smem:$0x3FB9]  }
0x3d: {  	_ =	shalt  }
0x3e: {  	_ =	shalt  }
0x3f: {  	_ =	shalt  }
0x40: {  	_ =	shalt  }
0x41: {  	_ =	shalt  }
0x42: {  	_ =	shalt  }
0x43: {  	_ =	shalt  }
0x44: {  	_ =	shalt  }
0x45: {  	_ =	shalt  }
0x46: {  	_ =	shalt  }
0x47: {  	_ =	shalt  }
0x48: {  	_ =	shalt  }
0x49: {  	_ =	shalt  }
0x4a: {  	_ =	shalt  }
0x4b: {  	_ =	shalt  }
0x4c: {  	_ =	shalt  }
0x4d: {  	_ =	shalt  }
0x4e: {  	_ =	shalt  }
0x4f: {  	_ =	shalt  }
0x50: {  	_ =	shalt  }
0x51: {  	_ =	shalt  }
0x52: {  	_ =	shalt  }
0x53: {  	_ =	shalt  }
0x54: {  	_ =	shalt  }
0x55: {  	_ =	shalt  }
0x56: {  	_ =	shalt  }
0x57: {  	_ =	shalt  }
0x58: {  	_ =	shalt  }
0x59: {  	_ =	shalt  }
0x5a: {  	_ =	shalt  }
0x5b: {  	_ =	shalt  }
0x5c: {  	_ =	shalt  }
0x5d: {  	_ =	shalt  }
0x5e: {  	_ =	shalt  }
0x5f: {  	_ =	shalt  }
0x60: {  	_ =	shalt  }
0x61: {  	_ =	shalt  }
0x62: {  	_ =	shalt  }
0x63: {  	_ =	shalt  }
0x64: {  	_ =	shalt  }
0x65: {  	_ =	shalt  }
0x66: {  	_ =	shalt  }
0x67: {  	_ =	shalt  }
0x68: {  	_ =	shalt  }
0x69: {  	_ =	shalt  }
0x6a: {  	_ =	shalt  }
0x6b: {  	_ =	shalt  }
0x6c: {  	_ =	shalt  }
0x6d: {  	_ =	shalt  }
0x6e: {  	_ =	shalt  }
0x6f: {  	_ =	shalt  }
0x70: {  	_ =	shalt  }
0x71: {  	_ =	shalt  }
0x72: {  	_ =	shalt  }
0x73: {  	_ =	shalt  }
0x74: {  	_ =	shalt  }
0x75: {  	_ =	shalt  }
0x76: {  	_ =	shalt  }
0x77: {  	_ =	shalt  }
0x78: {  	_ =	shalt  }
0x79: {  	_ =	shalt  }
0x7a: {  	_ =	shalt  }
0x7b: {  	_ =	shalt  }
0x7c: {  	_ =	shalt  }
0x7d: {  	_ =	shalt  }
0x7e: {  	_ =	shalt  }
0x7f: {  	_ =	shalt  }
0x80: {  	_ =	shalt  }
0x81: {  	_ =	shalt  }
0x82: {  	_ =	shalt  }
0x83: {  	_ =	shalt  }
0x84: {  	_ =	shalt  }
0x85: {  	_ =	shalt  }
0x86: {  	_ =	shalt  }
0x87: {  	_ =	shalt  }
.Lfunc_end0:
.L_simem_size_0:
called_computation_lowered:
.L_overlay_start_0:
0x88: {  	s2 =	sld [smem:$0x3FD9]  }
0x89: {  	s3 =	sld [smem:$0x3FFE];
	_ =	sdelay $0x1  }
0x8a: {  	s1 =	srdreg.scid  }
0x8b: {  	s0 =	sand.u32 $0x1, s1  }
0x8c: {  	s17 =	sshll.u32 s0, $0xA;
	s2 =	sadd.s32 s3, s2  }
0x8d: {  	s2 =	sadd.s32 s2, s17  }
0x8e: {  	[smem:$0x3FC5] =	sst s2  }
0x8f: {  	_ = 	snop  }
0x90: {  	s2 =	sld [smem:$0x3FD0];
	(tm) =	ssettm $0x1  }
0x91: {  	s18 =	sld [smem:$0x3FFB];
	_ =	sdelay $0x3  }
0x92: {  	_ =	strace s18  }
0x93: {  	s3 =	sld [smem:$0x3FFC];
	_ =	sdelay $0x3  }
0x94: {  	_ =	strace s3  }
0x95: {  	s3 =	sld [smem:$0x3FFD];
	_ =	sdelay $0x3  }
0x96: {  	_ =	strace s3  }
0x97: {  	_ =	strace $0x8FFFFFFF  }
0x98: {  	s19 =	sld [smem:$0x3FDB];
	_ =	sdelay $0x1  }
0x99: {  	s4 =	simm.s32 $_scs_section_size  }
0x9a: {  	s5 =	simm.s32 $_size__tile_overlayer_lowered;
	s6 =	simm.s32 $_tile_overlayer_lowered  }
0x9b: {  	s22 =	simm.s32 $0x1BFF;
	s21 =	sshll.u32 s6, $0x1;
	s3 =	sadd.s32 s4, s19  }
0x9c: {  	s7 =	simm.s32 $0x0;
	s20 =	sshll.u32 s5, $0x1;
	s5 =	sadd.s32 s21, s3  }
0x9d: {  	[timem:s7], [sflag:s22] =	dma.local [hbm:s5], s20  }
0x9e: {  	_ =	swait.ge [sflag:s22], s20  }
0x9f: {  	s4 =	ssub.s32 $0x0, s20;
	[sflag:s22] =	ssyncset.done $0x0  }
0xa0: {  	[sflag:s22] =	ssyncadd.s32 s4;
	_ =	sdelay $0x1  }
0xa1: {  	s23 =	simm.s32 $0x1B8B  }
0xa2: {  	_ =	swait.ge [sflag:s23], $0x1  }
0xa3: {  	[sflag:s23] =	ssyncset.done $0x0  }
0xa4: {  	s25 =	simm.s32 $0x1B8E;
	s24 =	sld [smem:$0x3FFE];
	[sflag:s23] =	ssyncadd.s32 $0xFFFFFFFF  }
0xa5: {  	s26 =	simm.s32 $execute0_lowered;
	[smem:$0x3FD2] =	sst s25  }
0xa6: {  	s5 =	sshll.u32 s26, $0x1;
	_ =	strace $0x80000046;
	[dreg:$0x1] =	wrdreg $0xFFFFFFFF  }
0xa7: {  	s28 =	simm.s32 $_size_execute0_lowered;
	s3 =	sadd.s32 s3, s5;
	[dreg:$0x0] =	wrdreg $0x0  }
0xa8: {  	s5 =	sshll.u32 s28, $0x1;
	[dreg:$0x2] =	wrdreg s3  }
0xa9: {  	[dreg:$0x3] =	wrdreg s5  }
0xaa: {  	[dreg:$0x4] =	wrdreg $0xC0  }
0xab: {  	_ =	task [dreg:s7], $0x5FFFF  }
0xac: {  	[dreg:$0x1] =	wrdreg $0xFFFFFFFF  }
0xad: {  	[dreg:$0x0] =	wrdreg $0x60  }
0xae: {  	[dreg:$0x2] =	wrdreg s24  }
0xaf: {  	[dreg:$0x3] =	wrdreg s2  }
0xb0: {  	[dreg:$0x4] =	wrdreg $0x9  }
0xb1: {  	_ =	task.clear_ibuf [dreg:s7], $0x5FFFF;
	_ =	strace $0x90000046  }
0xb2: {  	s29 =	simm.s32 $0x9;
	_ =	strace $0x80000048  }
0xb3: {  	_ =	swait.ge [sflag:s29], $0x1  }
0xb4: {  	[sflag:s29] =	ssyncadd.s32 $0xFFFFFFFF  }
0xb5: {  	_ =	strace $0x90000048  }
0xb6: {  	_ =	sfence  }
0xb7: {  	s30 =	sld [smem:$0x0];
	_ =	sdelay $0x2  }
0xb8: {  	s31 =	sshll.u32 s1, $0xD;
	s1 =	sshrl.u32 s1, $0x2  }
0xb9: {  	s3 =	sand.u32 $0x4000, s31;
	s1 =	sadd.s32 s1, s30  }
0xba: {  	s0 =	sor.u32 s3, s0;
	s1 =	sshll.u32 s1, $0x11  }
0xbb: {  	s0 =	sor.u32 s1, s0  }
0xbc: {  	s0 =	sadd.s32 $0x8F2B, s0  }
0xbd: {  	[sflag:s0] =	ssyncadd.remote.s32 $0x1  }
0xbe: {  	_ =	sfence.sel $0xFFFF  }
0xbf: {  	[dreg:$0x0] =	wrdreg $0xFFFFFFFF;
	(pc) =	sbr.abs _section_cstart, $3  }
0xc0: {  	[dreg:$0x1] =	wrdreg $0xFFFFFFFF  }
0xc1: {  	_ =	task.clear_ibuf [dreg:s7], $0x2FFFF;
	_ =	strace $0x9FFFFFFF  }
0xc2: {  	(tm) =	ssettm $0x7FFFFFFF  }
0xc3: {  	_ =	shalt  }
tec
execute0_lowered:
.L_overlay_start_1:
0x0: {  	(tag) =	ssettag $0x1  }
0x1: {  	s5 =	rddreg [dreg:$0x0]  }
0x2: {  	s2 =	rddreg [dreg:$0x1]  }
0x3: {  	s0 =	rddreg [dreg:$0x2];
	s4 =	srdreg.scid  }
0x4: {  	s1 =	stileid.u32;
	s3 =	simm.s32 $0x0;
	s10 =	simm.s32 $0x1000  }
0x5: {  	s11 =	simm.s32 $0x5;
	s12 =	simm.s32 $0x6400;
	s13 =	simm.s32 $0x9600  }
0x6: {  	s14 =	simm.s32 $0xB600;
	s15 =	simm.s32 $0x1;
	s16 =	simm.s32 $0xD600  }
0x7: {  	s17 =	simm.s32 $0x2;
	s18 =	simm.s32 $0x4;
	s19 =	simm.s32 $0xF800  }
0x8: {  	s20 =	simm.s32 $0x3;
	s4 =	sand.u32 $0x1, s4;
	s6 =	sshll.u32 s1, $0x1  }
0x9: {  	s21 =	simm.s32 $0x0;
	[smem:$0x7FF] =	sst s3;
	s7 =	sor.u32 s4, s6  }
0xa: {  	v0 =	vlaneseq.u32;
	_ =	strace $0x80000047;
	s8 =	ssub.s32 $0x2, s4;
	s4 =	sadd.s32 $0xF42E00, s5  }
0xb: {  	v0 =	vmul.u32 $0x88, v0;
	s6 =	sshll.u32 s7, $0x4;
	s9 =	sshrl.u32 s8, $0x1;
	s7 =	sshll.u32 s7, $0xA  }
0xc: {  	s6 =	sadd.s32 s6, s5;
	s5 =	sadd.s32 $0x19A00, s5;
	s8 =	ssub.s32 s8, s9  }
0xd: {  	v1 =	vadd.s32 $0x880, v0;
	v2 =	vadd.s32 $0x1100, v0;
	v3 =	vadd.s32 $0x1980, v0;
	s9 =	simm.s32 $0x80;
	s6 =	sadd.s32 $0xA00, s6;
	s8 =	smax.u32 s8, $0x1  }
.LBB2_1:
0xe: {  	[tilespmem:s3], [sflag:$0x5] =	stream.strided.gather [hbm4b:s6+s9], $0x6400, s10, s9, $0x38;
	[tilespmem:$0x11A00] =	vst v63  }
0xf: {  	_ =	swait.ge [sflag:s11], $0x6400  }
0x10: {  	[sflag:s11] =	ssyncset.done $0x0  }
0x11: {  	[sflag:s11] =	ssyncadd.s32 $0xFFFF9C00  }
0x12: {  	[tilespmem:s12], [sflag:$0x5] =	stream.linear.gather [hbm4b:s5+s3], $0x3200, $0x38;
	[tilespmem:$0x11A00] =	vst v63  }
0x13: {  	_ =	swait.ge [sflag:s11], $0x3200  }
0x14: {  	[sflag:s11] =	ssyncset.done $0x0  }
0x15: {  	s22 =	simm.s32 $0x0;
	[sflag:s11] =	ssyncadd.s32 $0xFFFFCE00  }
0x16: {  	[tilespmem:s13], [sflag:$0x1] =	stream.indirect.gather [hbm4b:s4+s9], $0x40, s3, s9, $0xb8;
	[tilespmem:$0x11A00] =	vst v63  }
.LBB2_2:
0x17: {  	s23 =	sshllo.u32 s22, $0x1  }
0x18: {  	s24 =	sshll.u32 s23, $0x7  }
0x19: {  	s24 =	sand.u32 $0x3FFFFF80, s24  }
0x1a: {  	[tilespmem:s14], [sflag:$0x2] =	stream.indirect.gather [hbm4b:s4+s9], $0x40, s24, s9, $0xb8;
	[tilespmem:$0x11A00] =	vst v63  }
0x1b: {  	_ =	swait.ge [sflag:s15], $0x2000  }
0x1c: {  	p0 =	seq.s32 s22, $0x0;
	[sflag:s15] =	ssyncset.done $0x0  }
0x1d: {  	s24 =	simm.s32 @!p0 $0x3;
	[sflag:s15] =	ssyncadd.s32 $0xFFFFE000  }
0x1e: {  	_ =	swait.ge @!p0 [sflag:s24], $0x2000  }
0x1f: {  	[sflag:s24] =	ssyncset.done @!p0 $0x0  }
0x20: {  	s25 =	simm.s32 $0x9680;
	[sflag:s24] =	ssyncadd.s32 @!p0 $0xFFFFE000  }
0x21: {  	s30 =	sshll.u32 s22, $0x7;
	v4 =	vld [tilespmem:s25+$0x40]  }
0x22: {  	s26 =	simm.s32 $0x3;
	s24 =	sand.u32 $0x3FFFFF80, s30  }
0x23: {  	v5 =	vmov s26;
	v10 =	vld [tilespmem:s24+$0x6400]  }
0x24: {  	v15 =	vand.u32 $0x7F, v5  }
0x25: {  	v9 =	vadd.s32 v0, v15;
	v8 =	vld [tilespmem:s25+$0xFFFFFF80]  }
0x26: {  	s31 =	simm.s32 $0x0;
	v11 =	vld [tilespmem:s25+$0xFFFFFFC0];
	v4 =	vmul.f32 $8.000000000e+00, v4  }
0x27: {  	s29 =	simm.s32 $0x1;
	v6 =	vmov s31;
	v12 =	vld [tilespmem:s25+$0x0]  }
0x28: {  	v14 =	vand.u32 $0x7C, v6;
	v6 =	vmov s29;
	s30 =	simm.s32 $0x2;
	v7 =	vld [tilespmem:s24+$0x6410];
	v13 =	vadd.f32 v4, v10  }
0x29: {  	v16 =	vadd.s32 v0, v14;
	v30 =	vand.u32 $0x7D, v6;
	v5 =	vld [tilespmem:s24+$0x6420];
	v17 =	vmov s30  }
0x2a: {  	v6 =	vand.u32 $0x7E, v17;
	v17 =	vadd.s32 v0, v30;
	v8 =	vmul.f32 $8.000000000e+00, v8;
	v4 =	vld [tilespmem:s24+$0x6430];
	[tilespmem:v9+s16+$0x0] =	vst.idx.msk $0xffff, v13  }
0x2b: {  	v9 =	vmul.f32 $8.000000000e+00, v11;
	v11 =	vadd.s32 v0, v6;
	v13 =	vld [tilespmem:s25+$0x50]  }
0x2c: {  	v12 =	vmul.f32 $8.000000000e+00, v12;
	v8 =	vadd.f32 v8, v10  }
0x2d: {  	v9 =	vadd.f32 v9, v10  }
0x2e: {  	[tilespmem:v16+s16+$0x0] =	vst.idx.msk $0xffff, v8;
	v8 =	vadd.f32 v12, v10  }
0x2f: {  	v12 =	vld [tilespmem:s25+$0xFFFFFF90];
	[tilespmem:v17+s16+$0x0] =	vst.idx.msk $0xffff, v9;
	v9 =	vadd.s32 v1, v15  }
0x30: {  	v16 =	vld [tilespmem:s25+$0xFFFFFFD0];
	[tilespmem:v11+s16+$0x0] =	vst.idx.msk $0xffff, v8;
	v8 =	vmul.f32 $8.000000000e+00, v13  }
0x31: {  	s24 =	simm.s32 $0x9780;
	v11 =	vld [tilespmem:s25+$0x10]  }
0x32: {  	s29 =	simm.s32 $0x7;
	v19 =	vld [tilespmem:s24+$0x40];
	v8 =	vadd.f32 v8, v7  }
0x33: {  	s31 =	simm.s32 $0x4;
	v21 =	vmov s29;
	v13 =	vadd.s32 v1, v14  }
0x34: {  	v18 =	vadd.s32 v1, v30;
	v17 =	vmov s31;
	v12 =	vmul.f32 $8.000000000e+00, v12;
	[tilespmem:v9+s16+$0x0] =	vst.idx.msk $0xffff, v8  }
0x35: {  	v8 =	vand.u32 $0x7C, v17;
	v9 =	vmul.f32 $8.000000000e+00, v16;
	v16 =	vadd.s32 v1, v6;
	v17 =	vld [tilespmem:s25+$0x60]  }
0x36: {  	v26 =	vadd.s32 v2, v15;
	v20 =	vld [tilespmem:s24+$0xFFFFFF80];
	v12 =	vadd.f32 v12, v7;
	v11 =	vmul.f32 $8.000000000e+00, v11  }
0x37: {  	v24 =	vld [tilespmem:s24+$0xFFFFFFC0];
	v19 =	vmul.f32 $8.000000000e+00, v19;
	v23 =	vadd.f32 v9, v7;
	v9 =	vand.u32 $0x7F, v21  }
0x38: {  	s30 =	simm.s32 $0x5;
	[tilespmem:v13+s16+$0x0] =	vst.idx.msk $0xffff, v12;
	v12 =	vld [tilespmem:s24+$0x0];
	v11 =	vadd.f32 v11, v7;
	v25 =	vadd.s32 v0, v9  }
0x39: {  	s31 =	simm.s32 $0x6;
	v19 =	vadd.f32 v19, v10;
	v22 =	vadd.s32 v0, v8;
	v21 =	vmov s30;
	[tilespmem:v18+s16+$0x0] =	vst.idx.msk $0xffff, v23;
	v23 =	vld [tilespmem:s25+$0xFFFFFFA0]  }
0x3a: {  	v13 =	vand.u32 $0x7D, v21;
	v18 =	vmov s31;
	[tilespmem:v16+s16+$0x0] =	vst.idx.msk $0xffff, v11;
	v16 =	vld [tilespmem:s25+$0xFFFFFFE0];
	v17 =	vmul.f32 $8.000000000e+00, v17  }
0x3b: {  	v11 =	vand.u32 $0x7E, v18;
	v18 =	vmul.f32 $8.000000000e+00, v20;
	v20 =	vadd.s32 v0, v13;
	v21 =	vld [tilespmem:s25+$0x20]  }
0x3c: {  	v24 =	vmul.f32 $8.000000000e+00, v24;
	v27 =	vadd.s32 v0, v11;
	v17 =	vadd.f32 v17, v5  }
0x3d: {  	v12 =	vmul.f32 $8.000000000e+00, v12;
	v18 =	vadd.f32 v18, v10;
	[tilespmem:v25+s16+$0x0] =	vst.idx.msk $0xffff, v19;
	v19 =	vadd.s32 v2, v14  }
0x3e: {  	v24 =	vadd.f32 v24, v10;
	v25 =	vld [tilespmem:s24+$0x50];
	v23 =	vmul.f32 $8.000000000e+00, v23;
	[tilespmem:v26+s16+$0x0] =	vst.idx.msk $0xffff, v17;
	v17 =	vadd.s32 v2, v30  }
0x3f: {  	[tilespmem:v22+s16+$0x0] =	vst.idx.msk $0xffff, v18;
	v18 =	vadd.f32 v12, v10;
	v16 =	vmul.f32 $8.000000000e+00, v16;
	v26 =	vadd.s32 v2, v6;
	v22 =	vld [tilespmem:s25+$0x70]  }
0x40: {  	s26 =	simm.s32 $0x8;
	v28 =	vld [tilespmem:s24+$0xFFFFFF90];
	[tilespmem:v20+s16+$0x0] =	vst.idx.msk $0xffff, v24;
	v21 =	vmul.f32 $8.000000000e+00, v21;
	v23 =	vadd.f32 v23, v5  }
0x41: {  	v31 =	vadd.s32 v1, v9;
	v12 =	vmov s26;
	v24 =	vld [tilespmem:s24+$0xFFFFFFD0];
	[tilespmem:v27+s16+$0x0] =	vst.idx.msk $0xffff, v18;
	v16 =	vadd.f32 v16, v5  }
0x42: {  	s28 =	simm.s32 $0x9;
	v14 =	vadd.s32 v3, v14;
	v12 =	vand.u32 $0x7C, v12;
	v27 =	vld [tilespmem:s24+$0x10];
	v29 =	vadd.f32 v21, v5;
	[tilespmem:v19+s16+$0x0] =	vst.idx.msk $0xffff, v23  }
0x43: {  	v20 =	vmov s28;
	v19 =	vadd.s32 v3, v15;
	v32 =	vmul.f32 $8.000000000e+00, v25;
	v21 =	vld [tilespmem:s25+$0xFFFFFFB0];
	[tilespmem:v17+s16+$0x0] =	vst.idx.msk $0xffff, v16  }
0x44: {  	v18 =	vadd.s32 v0, v12;
	v25 =	vadd.s32 v1, v8;
	[tilespmem:v26+s16+$0x0] =	vst.idx.msk $0xffff, v29;
	v15 =	vmul.f32 $8.000000000e+00, v22;
	v17 =	vld [tilespmem:s25+$0xFFFFFFF0]  }
0x45: {  	v23 =	vadd.s32 v1, v13;
	v28 =	vmul.f32 $8.000000000e+00, v28;
	v32 =	vadd.f32 v32, v7;
	v16 =	vld [tilespmem:s25+$0x30]  }
0x46: {  	v26 =	vmul.f32 $8.000000000e+00, v24;
	v22 =	vadd.s32 v1, v11;
	s25 =	simm.s32 $0x9880;
	v24 =	vadd.f32 v15, v4  }
0x47: {  	s28 =	simm.s32 $0xC;
	v29 =	vld [tilespmem:s25+$0x40];
	v28 =	vadd.f32 v28, v7;
	v27 =	vmul.f32 $8.000000000e+00, v27;
	[tilespmem:v31+s16+$0x0] =	vst.idx.msk $0xffff, v32;
	v15 =	vadd.s32 v3, v30  }
.LBB2_3:
0x48: {  	p1 =	slt.u32 s28, $0x7C;
	s29 =	sadd.s32 $0x3, s26;
	v26 =	vadd.f32 v26, v7;
	v30 =	vld [tilespmem:s24+$0x60];
	v21 =	vmul.f32 $8.000000000e+00, v21;
	v31 =	vadd.s32 v3, v6;
	[tilespmem:v19+s16+$0x0] =	vst.idx.msk $0xffff, v24  }
0x49: {  	v32 =	vmovc v13;
	v6 =	vmovc v11;
	v19 =	vld [tilespmem:s25+$0xFFFFFF80];
	v24 =	vmov s29;
	[tilespmem:v25+s16+$0x0] =	vst.idx.msk $0xffff, v28;
	v25 =	vadd.f32 v27, v7;
	v17 =	vmul.f32 $8.000000000e+00, v17  }
0x4a: {  	s29 =	sadd.s32 $0x2, s26;
	s26 =	smov.u32 s28;
	v27 =	vld [tilespmem:s25+$0xFFFFFFC0];
	v24 =	vand.u32 $0x7F, v24;
	[tilespmem:v23+s16+$0x0] =	vst.idx.msk $0xffff, v26;
	v11 =	vadd.f32 v21, v4;
	v13 =	vmul.f32 $8.000000000e+00, v16  }
0x4b: {  	v16 =	vmov s29;
	v21 =	vld [tilespmem:s25+$0x0];
	v23 =	vadd.s32 v0, v24;
	[tilespmem:v22+s16+$0x0] =	vst.idx.msk $0xffff, v25;
	v17 =	vadd.f32 v17, v4  }
0x4c: {  	v26 =	vadd.s32 v2, v9;
	v22 =	vmul.f32 $8.000000000e+00, v29;
	v25 =	vld [tilespmem:s24+$0xFFFFFFA0];
	[tilespmem:v14+s16+$0x0] =	vst.idx.msk $0xffff, v11;
	v14 =	vadd.f32 v13, v4  }
0x4d: {  	v13 =	vand.u32 $0x7D, v20;
	v11 =	vand.u32 $0x7E, v16;
	v16 =	vld [tilespmem:s24+$0xFFFFFFE0];
	v20 =	vmul.f32 $8.000000000e+00, v30;
	[tilespmem:v15+s16+$0x0] =	vst.idx.msk $0xffff, v17  }
0x4e: {  	v17 =	vadd.s32 v0, v13;
	v15 =	vmul.f32 $8.000000000e+00, v19;
	v19 =	vadd.f32 v22, v10;
	v22 =	vld [tilespmem:s24+$0x20];
	[tilespmem:v31+s16+$0x0] =	vst.idx.msk $0xffff, v14  }
0x4f: {  	v14 =	vmul.f32 $8.000000000e+00, v27;
	v27 =	vadd.s32 v0, v11;
	v20 =	vadd.f32 v20, v5  }
0x50: {  	v15 =	vadd.f32 v15, v10;
	v21 =	vmul.f32 $8.000000000e+00, v21;
	[tilespmem:v23+s16+$0x0] =	vst.idx.msk $0xffff, v19;
	v19 =	vadd.s32 v2, v8  }
0x51: {  	v28 =	vadd.s32 v2, v32;
	v14 =	vadd.f32 v14, v10;
	v23 =	vld [tilespmem:s25+$0x50];
	v25 =	vmul.f32 $8.000000000e+00, v25;
	[tilespmem:v26+s16+$0x0] =	vst.idx.msk $0xffff, v20  }
0x52: {  	v26 =	vadd.s32 v2, v6;
	[tilespmem:v18+s16+$0x0] =	vst.idx.msk $0xffff, v15;
	v15 =	vadd.f32 v21, v10;
	v16 =	vmul.f32 $8.000000000e+00, v16;
	v29 =	vld [tilespmem:s24+$0x70]  }
0x53: {  	v18 =	vmov s28;
	v30 =	vld [tilespmem:s25+$0xFFFFFF90];
	[tilespmem:v17+s16+$0x0] =	vst.idx.msk $0xffff, v14;
	v14 =	vadd.f32 v25, v5;
	v17 =	vmul.f32 $8.000000000e+00, v22  }
0x54: {  	s29 =	sadd.s32 $0x1, s28;
	v31 =	vand.u32 $0x7C, v18;
	v22 =	vld [tilespmem:s25+$0xFFFFFFD0];
	[tilespmem:v27+s16+$0x0] =	vst.idx.msk $0xffff, v15;
	v15 =	vadd.f32 v16, v5  }
0x55: {  	v33 =	vadd.s32 v1, v24;
	v20 =	vmov s29;
	v27 =	vld [tilespmem:s25+$0x10];
	[tilespmem:v19+s16+$0x0] =	vst.idx.msk $0xffff, v14;
	v16 =	vadd.f32 v17, v5  }
.Ltmp0:
0x56: {  	v14 =	vadd.s32 v3, v8;
	v19 =	vadd.s32 v3, v9;
	v34 =	vmul.f32 $8.000000000e+00, v23;
	v21 =	vld [tilespmem:s24+$0xFFFFFFB0];
	[tilespmem:v28+s16+$0x0] =	vst.idx.msk $0xffff, v15;
	(pc) =	sbr.rel @p1 .LBB2_3-.Ltmp0, $4  }
0x57: {  	v25 =	vadd.s32 v1, v12;
	v18 =	vadd.s32 v0, v31;
	v17 =	vld [tilespmem:s24+$0xFFFFFFF0];
	[tilespmem:v26+s16+$0x0] =	vst.idx.msk $0xffff, v16;
	v15 =	vmul.f32 $8.000000000e+00, v29  }
0x58: {  	v9 =	vmovc v24;
	v8 =	vmovc v12;
	v23 =	vadd.s32 v1, v13;
	v28 =	vmul.f32 $8.000000000e+00, v30;
	v30 =	vadd.f32 v34, v7;
	v16 =	vld [tilespmem:s24+$0x30];
	s24 =	smov.u32 s25  }
0x59: {  	v12 =	vmovc v31;
	s25 =	sadd.s32 $0x100, s25;
	v26 =	vmul.f32 $8.000000000e+00, v22;
	v22 =	vadd.s32 v1, v11;
	v24 =	vadd.f32 v15, v4  }
0x5a: {  	s28 =	sadd.s32 $0x4, s28;
	v15 =	vadd.s32 v3, v32;
	v29 =	vld [tilespmem:s25+$0x40];
	v28 =	vadd.f32 v28, v7;
	v27 =	vmul.f32 $8.000000000e+00, v27;
	[tilespmem:v33+s16+$0x0] =	vst.idx.msk $0xffff, v30  }
0x5b: {  	s28 =	sadd.s32 $0x3, s26;
	v30 =	vld [tilespmem:s25+$0xFFFFFF80]  }
0x5c: {  	v32 =	vld [tilespmem:s25+$0xFFFFFFC0];
	v31 =	vmov s28  }
0x5d: {  	v33 =	vld [tilespmem:s25+$0x0];
	v31 =	vand.u32 $0x7F, v31  }
0x5e: {  	s31 =	sadd.s32 $0x2, s26;
	v34 =	vadd.s32 v0, v31  }
0x5f: {  	v20 =	vand.u32 $0x7D, v20;
	v35 =	vmov s31;
	v29 =	vmul.f32 $8.000000000e+00, v29  }
0x60: {  	v36 =	vadd.s32 v0, v20;
	v35 =	vand.u32 $0x7E, v35;
	v30 =	vmul.f32 $8.000000000e+00, v30  }
0x61: {  	v37 =	vadd.s32 v0, v35;
	v32 =	vmul.f32 $8.000000000e+00, v32;
	v29 =	vadd.f32 v29, v10  }
0x62: {  	v33 =	vmul.f32 $8.000000000e+00, v33;
	v30 =	vadd.f32 v30, v10  }
0x63: {  	v58 =	vadd.f32 v32, v10;
	[tilespmem:v34+s16+$0x0] =	vst.idx.msk $0xffff, v29  }
0x64: {  	v60 =	vadd.f32 v33, v10;
	[tilespmem:v18+s16+$0x0] =	vst.idx.msk $0xffff, v30;
	v59 =	vld [tilespmem:s25+$0x50]  }
0x65: {  	[tilespmem:v36+s16+$0x0] =	vst.idx.msk $0xffff, v58;
	v30 =	vld [tilespmem:s25+$0xFFFFFF90]  }
0x66: {  	[tilespmem:v37+s16+$0x0] =	vst.idx.msk $0xffff, v60;
	v29 =	vld [tilespmem:s25+$0xFFFFFFD0]  }
0x67: {  	v10 =	vld [tilespmem:s25+$0x10]  }
0x68: {  	v61 =	vadd.s32 v1, v31  }
0x69: {  	v26 =	vadd.f32 v26, v7;
	v62 =	vadd.s32 v1, v12;
	v18 =	vmul.f32 $8.000000000e+00, v59  }
0x6a: {  	v63 =	vld [tilespmem:s24+$0x60];
	[tilespmem:v25+s16+$0x0] =	vst.idx.msk $0xffff, v28;
	v27 =	vadd.f32 v27, v7;
	v36 =	vadd.s32 v1, v20;
	v34 =	vmul.f32 $8.000000000e+00, v30  }
0x6b: {  	[tilespmem:v23+s16+$0x0] =	vst.idx.msk $0xffff, v26;
	v39 =	vadd.s32 v1, v35;
	v37 =	vld [tilespmem:s24+$0xFFFFFFA0];
	v38 =	vmul.f32 $8.000000000e+00, v29;
	v18 =	vadd.f32 v18, v7  }
0x6c: {  	[tilespmem:v22+s16+$0x0] =	vst.idx.msk $0xffff, v27;
	v40 =	vld [tilespmem:s24+$0xFFFFFFE0];
	v10 =	vmul.f32 $8.000000000e+00, v10;
	v41 =	vadd.f32 v34, v7  }
0x6d: {  	v42 =	vld [tilespmem:s24+$0x20];
	v26 =	vadd.f32 v38, v7;
	[tilespmem:v61+s16+$0x0] =	vst.idx.msk $0xffff, v18  }
0x6e: {  	v21 =	vmul.f32 $8.000000000e+00, v21;
	v43 =	vadd.s32 v2, v9;
	v44 =	vadd.f32 v10, v7;
	[tilespmem:v62+s16+$0x0] =	vst.idx.msk $0xffff, v41;
	v45 =	vld [tilespmem:s25+$0x60]  }
0x6f: {  	v46 =	vadd.s32 v2, v8;
	v25 =	vmul.f32 $8.000000000e+00, v63;
	[tilespmem:v36+s16+$0x0] =	vst.idx.msk $0xffff, v26;
	v47 =	vld [tilespmem:s25+$0xFFFFFFA0]  }
0x70: {  	v48 =	vadd.s32 v2, v13;
	v21 =	vadd.f32 v21, v4;
	v23 =	vmul.f32 $8.000000000e+00, v37;
	[tilespmem:v39+s16+$0x0] =	vst.idx.msk $0xffff, v44;
	v49 =	vld [tilespmem:s25+$0xFFFFFFE0]  }
0x71: {  	[tilespmem:v19+s16+$0x0] =	vst.idx.msk $0xffff, v24;
	v51 =	vadd.s32 v2, v11;
	v50 =	vadd.f32 v25, v5;
	v22 =	vmul.f32 $8.000000000e+00, v40;
	v52 =	vld [tilespmem:s25+$0x20]  }
0x72: {  	v54 =	vadd.s32 v2, v31;
	[tilespmem:v14+s16+$0x0] =	vst.idx.msk $0xffff, v21;
	v53 =	vadd.f32 v23, v5;
	v18 =	vmul.f32 $8.000000000e+00, v42  }
0x73: {  	v56 =	vadd.s32 v2, v12;
	[tilespmem:v43+s16+$0x0] =	vst.idx.msk $0xffff, v50;
	v55 =	vadd.f32 v22, v5;
	v10 =	vmul.f32 $8.000000000e+00, v45  }
0x74: {  	v60 =	vadd.s32 v2, v20;
	v57 =	vld [tilespmem:s24+$0x70];
	[tilespmem:v46+s16+$0x0] =	vst.idx.msk $0xffff, v53;
	v58 =	vadd.f32 v18, v5;
	v59 =	vmul.f32 $8.000000000e+00, v47  }
0x75: {  	v32 =	vadd.s32 v2, v35;
	[tilespmem:v48+s16+$0x0] =	vst.idx.msk $0xffff, v55;
	v61 =	vld [tilespmem:s24+$0xFFFFFFB0];
	v63 =	vmul.f32 $8.000000000e+00, v49;
	v62 =	vadd.f32 v10, v5  }
0x76: {  	v33 =	vld [tilespmem:s24+$0xFFFFFFF0];
	[tilespmem:v51+s16+$0x0] =	vst.idx.msk $0xffff, v58;
	v36 =	vmul.f32 $8.000000000e+00, v52;
	v34 =	vadd.f32 v59, v5  }
0x77: {  	v6 =	vadd.s32 v3, v6;
	v17 =	vmul.f32 $8.000000000e+00, v17;
	v24 =	vld [tilespmem:s24+$0x30];
	v37 =	vadd.f32 v63, v5;
	[tilespmem:v54+s16+$0x0] =	vst.idx.msk $0xffff, v62  }
0x78: {  	v38 =	vmul.f32 $8.000000000e+00, v16;
	v39 =	vadd.s32 v3, v9;
	v5 =	vadd.f32 v36, v5;
	v40 =	vld [tilespmem:s25+$0x70];
	[tilespmem:v56+s16+$0x0] =	vst.idx.msk $0xffff, v34  }
0x79: {  	v43 =	vmul.f32 $8.000000000e+00, v57;
	v42 =	vadd.s32 v3, v8;
	v41 =	vadd.f32 v17, v4;
	[tilespmem:v60+s16+$0x0] =	vst.idx.msk $0xffff, v37;
	v44 =	vld [tilespmem:s25+$0xFFFFFFB0]  }
0x7a: {  	v46 =	vadd.s32 v3, v13;
	v45 =	vadd.f32 v38, v4;
	v47 =	vmul.f32 $8.000000000e+00, v61;
	[tilespmem:v32+s16+$0x0] =	vst.idx.msk $0xffff, v5;
	v48 =	vld [tilespmem:s25+$0xFFFFFFF0]  }
0x7b: {  	v50 =	vmul.f32 $8.000000000e+00, v33;
	[tilespmem:v15+s16+$0x0] =	vst.idx.msk $0xffff, v41;
	v49 =	vadd.s32 v3, v11;
	v5 =	vadd.f32 v43, v4;
	v51 =	vld [tilespmem:s25+$0x30]  }
0x7c: {  	[tilespmem:v6+s16+$0x0] =	vst.idx.msk $0xffff, v45;
	v52 =	vadd.f32 v47, v4;
	v53 =	vmul.f32 $8.000000000e+00, v24;
	v54 =	vadd.s32 v3, v31  }
0x7d: {  	v55 =	vadd.s32 v3, v12;
	[tilespmem:v39+s16+$0x0] =	vst.idx.msk $0xffff, v5;
	v5 =	vadd.f32 v50, v4;
	v56 =	vmul.f32 $8.000000000e+00, v40  }
0x7e: {  	v58 =	vadd.s32 v3, v20;
	[tilespmem:v42+s16+$0x0] =	vst.idx.msk $0xffff, v52;
	v57 =	vadd.f32 v53, v4;
	v59 =	vmul.f32 $8.000000000e+00, v44  }
0x7f: {  	v60 =	vadd.s32 v3, v35;
	[tilespmem:v46+s16+$0x0] =	vst.idx.msk $0xffff, v5;
	v61 =	vmul.f32 $8.000000000e+00, v48;
	v5 =	vadd.f32 v56, v4  }
0x80: {  	[tilespmem:v49+s16+$0x0] =	vst.idx.msk $0xffff, v57;
	v63 =	vmul.f32 $8.000000000e+00, v51;
	v62 =	vadd.f32 v59, v4  }
0x81: {  	s25 =	sshll.u32 s22, $0x13;
	[tilespmem:v54+s16+$0x0] =	vst.idx.msk $0xffff, v5;
	v5 =	vadd.f32 v61, v4  }
0x82: {  	s24 =	sor.u32 s7, s25;
	v4 =	vadd.f32 v63, v4;
	[tilespmem:v55+s16+$0x0] =	vst.idx.msk $0xffff, v62  }
0x83: {  	s24 =	sshrl.u32 s24, $0x3;
	[tilespmem:v58+s16+$0x0] =	vst.idx.msk $0xffff, v5  }
0x84: {  	s26 =	simm.s32 $0xD600;
	s25 =	sadd.s32 s2, s24;
	[tilespmem:v60+s16+$0x0] =	vst.idx.msk $0xffff, v4  }
0x85: {  	[hbm4b:s25+s3] =	stream.linear.scatter [tilespmem:s26], [sflag:$0x3], $0x80, $0x38;
	[tilespmem:$0x11A00] =	vst v63  }
0x86: {  	s30 =	simm.s32 $0xD688;
	s31 =	sadd.s32 $0x10, s25  }
0x87: {  	[hbm4b:s31+s3] =	stream.linear.scatter [tilespmem:s30], [sflag:$0x3], $0x80, $0x38;
	[tilespmem:$0x11A00] =	vst v63  }
0x88: {  	s28 =	simm.s32 $0xD9B8;
	s30 =	simm.s32 $0xD710;
	s31 =	sadd.s32 $0x20, s25  }
0x89: {  	[hbm4b:s31+s3] =	stream.linear.scatter [tilespmem:s30], [sflag:$0x3], $0x80, $0x38;
	[tilespmem:$0x11A00] =	vst v63  }
0x8a: {  	s24 =	simm.s32 $0x440;
	s30 =	simm.s32 $0xD798;
	s31 =	sadd.s32 $0x30, s25  }
0x8b: {  	[hbm4b:s31+s3] =	stream.linear.scatter [tilespmem:s30], [sflag:$0x3], $0x80, $0x38;
	[tilespmem:$0x11A00] =	vst v63  }
0x8c: {  	s29 =	sadd.s32 $0x70, s25;
	s30 =	simm.s32 $0xD820;
	s31 =	sadd.s32 $0x40, s25  }
0x8d: {  	[hbm4b:s31+s3] =	stream.linear.scatter [tilespmem:s30], [sflag:$0x3], $0x80, $0x38;
	[tilespmem:$0x11A00] =	vst v63  }
0x8e: {  	s26 =	simm.s32 $0x2200;
	s30 =	simm.s32 $0xD8A8;
	s31 =	sadd.s32 $0x50, s25  }
0x8f: {  	[hbm4b:s31+s3] =	stream.linear.scatter [tilespmem:s30], [sflag:$0x3], $0x80, $0x38;
	[tilespmem:$0x11A00] =	vst v63  }
0x90: {  	s30 =	simm.s32 $0xD930;
	s31 =	sadd.s32 $0x60, s25;
	s25 =	sadd.s32 $0x1000, s25  }
0x91: {  	[hbm4b:s31+s3] =	stream.linear.scatter [tilespmem:s30], [sflag:$0x3], $0x80, $0x38;
	[tilespmem:$0x11A00] =	vst v63  }
.LBB2_5:
0x92: {  	[hbm4b:s29+s3] =	stream.linear.scatter [tilespmem:s28], [sflag:$0x3], $0x80, $0x38;
	[tilespmem:$0x11A00] =	vst v63  }
0x93: {  	s28 =	smov.u32 s24;
	s24 =	smov.u32 s26  }
0x94: {  	s30 =	sadd.s32 $0x1100, s26;
	s24 =	sshra.s32 s24, $0x2;
	s29 =	sadd.s32 $0xD600, s28  }
0x95: {  	[hbm4b:s25+s3] =	stream.linear.scatter [tilespmem:s29], [sflag:$0x3], $0x80, $0x38;
	[tilespmem:$0x11A00] =	vst v63  }
0x96: {  	p1 =	sne.s32 s26, $0x7700;
	s26 =	sadd.s32 $0xD688, s28;
	s29 =	sadd.s32 $0x10, s25  }
0x97: {  	[hbm4b:s29+s3] =	stream.linear.scatter [tilespmem:s26], [sflag:$0x3], $0x80, $0x38;
	[tilespmem:$0x11A00] =	vst v63  }
0x98: {  	s26 =	sadd.s32 $0xD710, s28;
	s29 =	sadd.s32 $0x20, s25  }
0x99: {  	[hbm4b:s29+s3] =	stream.linear.scatter [tilespmem:s26], [sflag:$0x3], $0x80, $0x38;
	[tilespmem:$0x11A00] =	vst v63  }
0x9a: {  	s26 =	sadd.s32 $0xD798, s28;
	s29 =	sadd.s32 $0x30, s25  }
0x9b: {  	[hbm4b:s29+s3] =	stream.linear.scatter [tilespmem:s26], [sflag:$0x3], $0x80, $0x38;
	[tilespmem:$0x11A00] =	vst v63  }
0x9c: {  	s26 =	sadd.s32 $0xD820, s28;
	s29 =	sadd.s32 $0x40, s25  }
0x9d: {  	[hbm4b:s29+s3] =	stream.linear.scatter [tilespmem:s26], [sflag:$0x3], $0x80, $0x38;
	[tilespmem:$0x11A00] =	vst v63  }
.Ltmp1:
0x9e: {  	s26 =	sadd.s32 $0xD8A8, s28;
	s29 =	sadd.s32 $0x50, s25;
	(pc) =	sbr.rel @p1 .LBB2_5-.Ltmp1, $4  }
0x9f: {  	[hbm4b:s29+s3] =	stream.linear.scatter [tilespmem:s26], [sflag:$0x3], $0x80, $0x38;
	[tilespmem:$0x11A00] =	vst v63  }
0xa0: {  	s26 =	sadd.s32 $0xD930, s28;
	s29 =	sadd.s32 $0x60, s25;
	s28 =	sadd.s32 $0xD9B8, s28  }
0xa1: {  	[hbm4b:s29+s3] =	stream.linear.scatter [tilespmem:s26], [sflag:$0x3], $0x80, $0x38;
	[tilespmem:$0x11A00] =	vst v63  }
0xa2: {  	s29 =	sadd.s32 $0x70, s25;
	s25 =	sadd.s32 $0x1000, s25;
	s26 =	smov.u32 s30  }
0xa3: {  	[hbm4b:s29+s3] =	stream.linear.scatter [tilespmem:s28], [sflag:$0x3], $0x80, $0x38;
	[tilespmem:$0x11A00] =	vst v63  }
0xa4: {  	s26 =	sadd.s32 $0xD600, s24  }
0xa5: {  	[hbm4b:s25+s3] =	stream.linear.scatter [tilespmem:s26], [sflag:$0x3], $0x80, $0x38;
	[tilespmem:$0x11A00] =	vst v63  }
0xa6: {  	s30 =	sadd.s32 $0xD688, s24;
	s31 =	sadd.s32 $0x10, s25  }
0xa7: {  	[hbm4b:s31+s3] =	stream.linear.scatter [tilespmem:s30], [sflag:$0x3], $0x80, $0x38;
	[tilespmem:$0x11A00] =	vst v63  }
0xa8: {  	s29 =	sadd.s32 $0xD710, s24;
	s30 =	sadd.s32 $0x20, s25  }
0xa9: {  	[hbm4b:s30+s3] =	stream.linear.scatter [tilespmem:s29], [sflag:$0x3], $0x80, $0x38;
	[tilespmem:$0x11A00] =	vst v63  }
0xaa: {  	s31 =	sadd.s32 $0xD798, s24;
	s29 =	sadd.s32 $0x30, s25  }
0xab: {  	[hbm4b:s29+s3] =	stream.linear.scatter [tilespmem:s31], [sflag:$0x3], $0x80, $0x38;
	[tilespmem:$0x11A00] =	vst v63  }
0xac: {  	s30 =	sadd.s32 $0xD820, s24;
	s31 =	sadd.s32 $0x40, s25  }
0xad: {  	[hbm4b:s31+s3] =	stream.linear.scatter [tilespmem:s30], [sflag:$0x3], $0x80, $0x38;
	[tilespmem:$0x11A00] =	vst v63  }
0xae: {  	p1 =	sne.s32 s22, $0x63;
	s29 =	sadd.s32 $0xD8A8, s24;
	s30 =	sadd.s32 $0x50, s25  }
0xaf: {  	[hbm4b:s30+s3] =	stream.linear.scatter [tilespmem:s29], [sflag:$0x3], $0x80, $0x38;
	[tilespmem:$0x11A00] =	vst v63  }
.Ltmp2:
0xb0: {  	_ = 	snop;
	(pc) =	sbr.rel @p1 .LBB2_8-.Ltmp2, $4  }
0xb1: {  	s31 =	sadd.s32 $0xD930, s24;
	s29 =	sadd.s32 $0x60, s25  }
0xb2: {  	[hbm4b:s29+s3] =	stream.linear.scatter [tilespmem:s31], [sflag:$0x3], $0x80, $0x38;
	[tilespmem:$0x11A00] =	vst v63  }
0xb3: {  	s30 =	sadd.s32 $0xD9B8, s24;
	s31 =	sadd.s32 $0x70, s25  }
0xb4: {  	[hbm4b:s31+s3] =	stream.linear.scatter [tilespmem:s30], [sflag:$0x3], $0x80, $0x38;
	[tilespmem:$0x11A00] =	vst v63  }
.Ltmp3:
0xb5: {  	(pc) =	sbr.rel .LBB2_9-.Ltmp3, $4  }
0xb6: {  	_ = 	snop  }
0xb7: {  	_ =	swait.ge [sflag:s17], $0x2000  }
0xb8: {  	[sflag:s17] =	ssyncset.done $0x0  }
0xb9: {  	[sflag:s17] =	ssyncadd.s32 $0xFFFFE000  }
.LBB2_8:
0xba: {  	s24 =	sshll.u32 s22, $0x8  }
0xbb: {  	s24 =	sand.u32 $0x3FFFFF00, s24  }
.Ltmp4:
0xbc: {  	s24 =	sadd.s32 $0x100, s24;
	(pc) =	sbr.rel @p0 .LBB2_10-.Ltmp4, $4  }
0xbd: {  	[tilespmem:s13], [sflag:$0x1] =	stream.indirect.gather [hbm4b:s4+s9], $0x40, s24, s9, $0xb8;
	[tilespmem:$0x11A00] =	vst v63  }
0xbe: {  	_ =	swait.ge [sflag:s17], $0x2000  }
0xbf: {  	[sflag:s17] =	ssyncset.done $0x0  }
0xc0: {  	[sflag:s17] =	ssyncadd.s32 $0xFFFFE000  }
.LBB2_9:
0xc1: {  	_ =	swait.ge [sflag:s18], $0x2000  }
0xc2: {  	[sflag:s18] =	ssyncset.done $0x0  }
0xc3: {  	[sflag:s18] =	ssyncadd.s32 $0xFFFFE000  }
.LBB2_10:
0xc4: {  	s25 =	simm.s32 $0xB680  }
0xc5: {  	s24 =	sshll.u32 s23, $0x6;
	v4 =	vld [tilespmem:s25+$0x40]  }
0xc6: {  	s26 =	simm.s32 $0x3;
	s24 =	sand.u32 $0x3FFFFFC0, s24  }
0xc7: {  	v5 =	vmov s26;
	v10 =	vld [tilespmem:s24+$0x6400]  }
0xc8: {  	v15 =	vand.u32 $0x7F, v5  }
0xc9: {  	v8 =	vld [tilespmem:s25+$0xFFFFFF80];
	v9 =	vadd.s32 v0, v15  }
0xca: {  	s31 =	simm.s32 $0x0;
	v11 =	vld [tilespmem:s25+$0xFFFFFFC0];
	v4 =	vmul.f32 $8.000000000e+00, v4  }
0xcb: {  	s29 =	simm.s32 $0x1;
	v6 =	vmov s31;
	v12 =	vld [tilespmem:s25+$0x0]  }
0xcc: {  	s30 =	simm.s32 $0x2;
	v7 =	vld [tilespmem:s24+$0x6410];
	v14 =	vand.u32 $0x7C, v6;
	v6 =	vmov s29;
	v13 =	vadd.f32 v4, v10  }
0xcd: {  	v17 =	vmov s30;
	v5 =	vld [tilespmem:s24+$0x6420];
	v16 =	vadd.s32 v0, v14;
	v30 =	vand.u32 $0x7D, v6  }
0xce: {  	v6 =	vand.u32 $0x7E, v17;
	v17 =	vadd.s32 v0, v30;
	v8 =	vmul.f32 $8.000000000e+00, v8;
	v4 =	vld [tilespmem:s24+$0x6430];
	[tilespmem:v9+s19+$0x0] =	vst.idx.msk $0xffff, v13  }
0xcf: {  	v9 =	vmul.f32 $8.000000000e+00, v11;
	v11 =	vadd.s32 v0, v6;
	v13 =	vld [tilespmem:s25+$0x50]  }
0xd0: {  	v12 =	vmul.f32 $8.000000000e+00, v12;
	v8 =	vadd.f32 v8, v10  }
0xd1: {  	v9 =	vadd.f32 v9, v10  }
0xd2: {  	[tilespmem:v16+s19+$0x0] =	vst.idx.msk $0xffff, v8;
	v8 =	vadd.f32 v12, v10  }
0xd3: {  	v12 =	vld [tilespmem:s25+$0xFFFFFF90];
	[tilespmem:v17+s19+$0x0] =	vst.idx.msk $0xffff, v9;
	v9 =	vadd.s32 v1, v15  }
0xd4: {  	v16 =	vld [tilespmem:s25+$0xFFFFFFD0];
	[tilespmem:v11+s19+$0x0] =	vst.idx.msk $0xffff, v8;
	v8 =	vmul.f32 $8.000000000e+00, v13  }
0xd5: {  	s24 =	simm.s32 $0xB780;
	v11 =	vld [tilespmem:s25+$0x10]  }
0xd6: {  	s29 =	simm.s32 $0x7;
	v19 =	vld [tilespmem:s24+$0x40];
	v8 =	vadd.f32 v8, v7  }
0xd7: {  	s31 =	simm.s32 $0x4;
	v21 =	vmov s29;
	v13 =	vadd.s32 v1, v14  }
0xd8: {  	v18 =	vadd.s32 v1, v30;
	v17 =	vmov s31;
	v12 =	vmul.f32 $8.000000000e+00, v12;
	[tilespmem:v9+s19+$0x0] =	vst.idx.msk $0xffff, v8  }
0xd9: {  	v8 =	vand.u32 $0x7C, v17;
	v9 =	vmul.f32 $8.000000000e+00, v16;
	v16 =	vadd.s32 v1, v6;
	v17 =	vld [tilespmem:s25+$0x60]  }
0xda: {  	v26 =	vadd.s32 v2, v15;
	v20 =	vld [tilespmem:s24+$0xFFFFFF80];
	v12 =	vadd.f32 v12, v7;
	v11 =	vmul.f32 $8.000000000e+00, v11  }
0xdb: {  	v24 =	vld [tilespmem:s24+$0xFFFFFFC0];
	v19 =	vmul.f32 $8.000000000e+00, v19;
	v23 =	vadd.f32 v9, v7;
	v9 =	vand.u32 $0x7F, v21  }
0xdc: {  	s30 =	simm.s32 $0x5;
	[tilespmem:v13+s19+$0x0] =	vst.idx.msk $0xffff, v12;
	v12 =	vld [tilespmem:s24+$0x0];
	v11 =	vadd.f32 v11, v7;
	v25 =	vadd.s32 v0, v9  }
0xdd: {  	s31 =	simm.s32 $0x6;
	v19 =	vadd.f32 v19, v10;
	v22 =	vadd.s32 v0, v8;
	v21 =	vmov s30;
	[tilespmem:v18+s19+$0x0] =	vst.idx.msk $0xffff, v23;
	v23 =	vld [tilespmem:s25+$0xFFFFFFA0]  }
0xde: {  	v13 =	vand.u32 $0x7D, v21;
	v18 =	vmov s31;
	[tilespmem:v16+s19+$0x0] =	vst.idx.msk $0xffff, v11;
	v16 =	vld [tilespmem:s25+$0xFFFFFFE0];
	v17 =	vmul.f32 $8.000000000e+00, v17  }
0xdf: {  	v11 =	vand.u32 $0x7E, v18;
	v18 =	vmul.f32 $8.000000000e+00, v20;
	v20 =	vadd.s32 v0, v13;
	v21 =	vld [tilespmem:s25+$0x20]  }
0xe0: {  	v24 =	vmul.f32 $8.000000000e+00, v24;
	v27 =	vadd.s32 v0, v11;
	v17 =	vadd.f32 v17, v5  }
0xe1: {  	v12 =	vmul.f32 $8.000000000e+00, v12;
	v18 =	vadd.f32 v18, v10;
	[tilespmem:v25+s19+$0x0] =	vst.idx.msk $0xffff, v19;
	v19 =	vadd.s32 v2, v14  }
0xe2: {  	v24 =	vadd.f32 v24, v10;
	v25 =	vld [tilespmem:s24+$0x50];
	v23 =	vmul.f32 $8.000000000e+00, v23;
	[tilespmem:v26+s19+$0x0] =	vst.idx.msk $0xffff, v17;
	v17 =	vadd.s32 v2, v30  }
0xe3: {  	[tilespmem:v22+s19+$0x0] =	vst.idx.msk $0xffff, v18;
	v18 =	vadd.f32 v12, v10;
	v16 =	vmul.f32 $8.000000000e+00, v16;
	v26 =	vadd.s32 v2, v6;
	v22 =	vld [tilespmem:s25+$0x70]  }
0xe4: {  	s26 =	simm.s32 $0x8;
	v28 =	vld [tilespmem:s24+$0xFFFFFF90];
	[tilespmem:v20+s19+$0x0] =	vst.idx.msk $0xffff, v24;
	v21 =	vmul.f32 $8.000000000e+00, v21;
	v23 =	vadd.f32 v23, v5  }
0xe5: {  	v31 =	vadd.s32 v1, v9;
	v12 =	vmov s26;
	v24 =	vld [tilespmem:s24+$0xFFFFFFD0];
	[tilespmem:v27+s19+$0x0] =	vst.idx.msk $0xffff, v18;
	v16 =	vadd.f32 v16, v5  }
0xe6: {  	s28 =	simm.s32 $0x9;
	v14 =	vadd.s32 v3, v14;
	v12 =	vand.u32 $0x7C, v12;
	v27 =	vld [tilespmem:s24+$0x10];
	v29 =	vadd.f32 v21, v5;
	[tilespmem:v19+s19+$0x0] =	vst.idx.msk $0xffff, v23  }
0xe7: {  	v20 =	vmov s28;
	v19 =	vadd.s32 v3, v15;
	v32 =	vmul.f32 $8.000000000e+00, v25;
	v21 =	vld [tilespmem:s25+$0xFFFFFFB0];
	[tilespmem:v17+s19+$0x0] =	vst.idx.msk $0xffff, v16  }
0xe8: {  	v18 =	vadd.s32 v0, v12;
	v25 =	vadd.s32 v1, v8;
	[tilespmem:v26+s19+$0x0] =	vst.idx.msk $0xffff, v29;
	v15 =	vmul.f32 $8.000000000e+00, v22;
	v17 =	vld [tilespmem:s25+$0xFFFFFFF0]  }
0xe9: {  	v23 =	vadd.s32 v1, v13;
	v28 =	vmul.f32 $8.000000000e+00, v28;
	v32 =	vadd.f32 v32, v7;
	v16 =	vld [tilespmem:s25+$0x30]  }
0xea: {  	v26 =	vmul.f32 $8.000000000e+00, v24;
	v22 =	vadd.s32 v1, v11;
	s25 =	simm.s32 $0xB880;
	v24 =	vadd.f32 v15, v4  }
0xeb: {  	s28 =	simm.s32 $0xC;
	v29 =	vld [tilespmem:s25+$0x40];
	v28 =	vadd.f32 v28, v7;
	v27 =	vmul.f32 $8.000000000e+00, v27;
	[tilespmem:v31+s19+$0x0] =	vst.idx.msk $0xffff, v32;
	v15 =	vadd.s32 v3, v30  }
.LBB2_11:
0xec: {  	p0 =	slt.u32 s28, $0x7C;
	s29 =	sadd.s32 $0x3, s26;
	v26 =	vadd.f32 v26, v7;
	v30 =	vld [tilespmem:s24+$0x60];
	v21 =	vmul.f32 $8.000000000e+00, v21;
	v31 =	vadd.s32 v3, v6;
	[tilespmem:v19+s19+$0x0] =	vst.idx.msk $0xffff, v24  }
0xed: {  	v32 =	vmovc v13;
	v6 =	vmovc v11;
	v19 =	vld [tilespmem:s25+$0xFFFFFF80];
	v24 =	vmov s29;
	[tilespmem:v25+s19+$0x0] =	vst.idx.msk $0xffff, v28;
	v25 =	vadd.f32 v27, v7;
	v17 =	vmul.f32 $8.000000000e+00, v17  }
0xee: {  	s29 =	sadd.s32 $0x2, s26;
	s26 =	smov.u32 s28;
	v27 =	vld [tilespmem:s25+$0xFFFFFFC0];
	v24 =	vand.u32 $0x7F, v24;
	[tilespmem:v23+s19+$0x0] =	vst.idx.msk $0xffff, v26;
	v11 =	vadd.f32 v21, v4;
	v13 =	vmul.f32 $8.000000000e+00, v16  }
0xef: {  	v16 =	vmov s29;
	v21 =	vld [tilespmem:s25+$0x0];
	v23 =	vadd.s32 v0, v24;
	[tilespmem:v22+s19+$0x0] =	vst.idx.msk $0xffff, v25;
	v17 =	vadd.f32 v17, v4  }
0xf0: {  	v26 =	vadd.s32 v2, v9;
	v22 =	vmul.f32 $8.000000000e+00, v29;
	v25 =	vld [tilespmem:s24+$0xFFFFFFA0];
	[tilespmem:v14+s19+$0x0] =	vst.idx.msk $0xffff, v11;
	v14 =	vadd.f32 v13, v4  }
0xf1: {  	v13 =	vand.u32 $0x7D, v20;
	v11 =	vand.u32 $0x7E, v16;
	v16 =	vld [tilespmem:s24+$0xFFFFFFE0];
	v20 =	vmul.f32 $8.000000000e+00, v30;
	[tilespmem:v15+s19+$0x0] =	vst.idx.msk $0xffff, v17  }
0xf2: {  	v17 =	vadd.s32 v0, v13;
	v15 =	vmul.f32 $8.000000000e+00, v19;
	v19 =	vadd.f32 v22, v10;
	v22 =	vld [tilespmem:s24+$0x20];
	[tilespmem:v31+s19+$0x0] =	vst.idx.msk $0xffff, v14  }
0xf3: {  	v14 =	vmul.f32 $8.000000000e+00, v27;
	v27 =	vadd.s32 v0, v11;
	v20 =	vadd.f32 v20, v5  }
0xf4: {  	v15 =	vadd.f32 v15, v10;
	v21 =	vmul.f32 $8.000000000e+00, v21;
	[tilespmem:v23+s19+$0x0] =	vst.idx.msk $0xffff, v19;
	v19 =	vadd.s32 v2, v8  }
0xf5: {  	v28 =	vadd.s32 v2, v32;
	v14 =	vadd.f32 v14, v10;
	v23 =	vld [tilespmem:s25+$0x50];
	v25 =	vmul.f32 $8.000000000e+00, v25;
	[tilespmem:v26+s19+$0x0] =	vst.idx.msk $0xffff, v20  }
0xf6: {  	v26 =	vadd.s32 v2, v6;
	[tilespmem:v18+s19+$0x0] =	vst.idx.msk $0xffff, v15;
	v15 =	vadd.f32 v21, v10;
	v16 =	vmul.f32 $8.000000000e+00, v16;
	v29 =	vld [tilespmem:s24+$0x70]  }
0xf7: {  	v18 =	vmov s28;
	v30 =	vld [tilespmem:s25+$0xFFFFFF90];
	[tilespmem:v17+s19+$0x0] =	vst.idx.msk $0xffff, v14;
	v14 =	vadd.f32 v25, v5;
	v17 =	vmul.f32 $8.000000000e+00, v22  }
0xf8: {  	s29 =	sadd.s32 $0x1, s28;
	v31 =	vand.u32 $0x7C, v18;
	v22 =	vld [tilespmem:s25+$0xFFFFFFD0];
	[tilespmem:v27+s19+$0x0] =	vst.idx.msk $0xffff, v15;
	v15 =	vadd.f32 v16, v5  }
0xf9: {  	v33 =	vadd.s32 v1, v24;
	v20 =	vmov s29;
	v27 =	vld [tilespmem:s25+$0x10];
	[tilespmem:v19+s19+$0x0] =	vst.idx.msk $0xffff, v14;
	v16 =	vadd.f32 v17, v5  }
.Ltmp5:
0xfa: {  	v14 =	vadd.s32 v3, v8;
	v19 =	vadd.s32 v3, v9;
	v34 =	vmul.f32 $8.000000000e+00, v23;
	v21 =	vld [tilespmem:s24+$0xFFFFFFB0];
	[tilespmem:v28+s19+$0x0] =	vst.idx.msk $0xffff, v15;
	(pc) =	sbr.rel @p0 .LBB2_11-.Ltmp5, $4  }
0xfb: {  	v25 =	vadd.s32 v1, v12;
	v18 =	vadd.s32 v0, v31;
	v17 =	vld [tilespmem:s24+$0xFFFFFFF0];
	[tilespmem:v26+s19+$0x0] =	vst.idx.msk $0xffff, v16;
	v15 =	vmul.f32 $8.000000000e+00, v29  }
0xfc: {  	v9 =	vmovc v24;
	v8 =	vmovc v12;
	v23 =	vadd.s32 v1, v13;
	v28 =	vmul.f32 $8.000000000e+00, v30;
	v30 =	vadd.f32 v34, v7;
	v16 =	vld [tilespmem:s24+$0x30];
	s24 =	smov.u32 s25  }
0xfd: {  	v12 =	vmovc v31;
	s25 =	sadd.s32 $0x100, s25;
	v26 =	vmul.f32 $8.000000000e+00, v22;
	v22 =	vadd.s32 v1, v11;
	v24 =	vadd.f32 v15, v4  }
0xfe: {  	s28 =	sadd.s32 $0x4, s28;
	v15 =	vadd.s32 v3, v32;
	v29 =	vld [tilespmem:s25+$0x40];
	v28 =	vadd.f32 v28, v7;
	v27 =	vmul.f32 $8.000000000e+00, v27;
	[tilespmem:v33+s19+$0x0] =	vst.idx.msk $0xffff, v30  }
0xff: {  	s28 =	sadd.s32 $0x3, s26;
	v30 =	vld [tilespmem:s25+$0xFFFFFF80]  }
0x100: {  	v32 =	vld [tilespmem:s25+$0xFFFFFFC0];
	v31 =	vmov s28  }
0x101: {  	v33 =	vld [tilespmem:s25+$0x0];
	v31 =	vand.u32 $0x7F, v31  }
0x102: {  	s31 =	sadd.s32 $0x2, s26;
	v34 =	vadd.s32 v0, v31  }
0x103: {  	v20 =	vand.u32 $0x7D, v20;
	v35 =	vmov s31;
	v29 =	vmul.f32 $8.000000000e+00, v29  }
0x104: {  	v36 =	vadd.s32 v0, v20;
	v35 =	vand.u32 $0x7E, v35;
	v30 =	vmul.f32 $8.000000000e+00, v30  }
0x105: {  	v37 =	vadd.s32 v0, v35;
	v32 =	vmul.f32 $8.000000000e+00, v32;
	v29 =	vadd.f32 v29, v10  }
0x106: {  	v33 =	vmul.f32 $8.000000000e+00, v33;
	v30 =	vadd.f32 v30, v10  }
0x107: {  	v58 =	vadd.f32 v32, v10;
	[tilespmem:v34+s19+$0x0] =	vst.idx.msk $0xffff, v29  }
0x108: {  	v60 =	vadd.f32 v33, v10;
	[tilespmem:v18+s19+$0x0] =	vst.idx.msk $0xffff, v30;
	v59 =	vld [tilespmem:s25+$0x50]  }
0x109: {  	[tilespmem:v36+s19+$0x0] =	vst.idx.msk $0xffff, v58;
	v30 =	vld [tilespmem:s25+$0xFFFFFF90]  }
0x10a: {  	[tilespmem:v37+s19+$0x0] =	vst.idx.msk $0xffff, v60;
	v29 =	vld [tilespmem:s25+$0xFFFFFFD0]  }
0x10b: {  	v10 =	vld [tilespmem:s25+$0x10]  }
0x10c: {  	v61 =	vadd.s32 v1, v31  }
0x10d: {  	v26 =	vadd.f32 v26, v7;
	v62 =	vadd.s32 v1, v12;
	v18 =	vmul.f32 $8.000000000e+00, v59  }
0x10e: {  	v63 =	vld [tilespmem:s24+$0x60];
	[tilespmem:v25+s19+$0x0] =	vst.idx.msk $0xffff, v28;
	v27 =	vadd.f32 v27, v7;
	v36 =	vadd.s32 v1, v20;
	v34 =	vmul.f32 $8.000000000e+00, v30  }
0x10f: {  	[tilespmem:v23+s19+$0x0] =	vst.idx.msk $0xffff, v26;
	v39 =	vadd.s32 v1, v35;
	v37 =	vld [tilespmem:s24+$0xFFFFFFA0];
	v38 =	vmul.f32 $8.000000000e+00, v29;
	v18 =	vadd.f32 v18, v7  }
0x110: {  	[tilespmem:v22+s19+$0x0] =	vst.idx.msk $0xffff, v27;
	v40 =	vld [tilespmem:s24+$0xFFFFFFE0];
	v10 =	vmul.f32 $8.000000000e+00, v10;
	v41 =	vadd.f32 v34, v7  }
0x111: {  	v42 =	vld [tilespmem:s24+$0x20];
	v26 =	vadd.f32 v38, v7;
	[tilespmem:v61+s19+$0x0] =	vst.idx.msk $0xffff, v18  }
0x112: {  	v21 =	vmul.f32 $8.000000000e+00, v21;
	v43 =	vadd.s32 v2, v9;
	v44 =	vadd.f32 v10, v7;
	[tilespmem:v62+s19+$0x0] =	vst.idx.msk $0xffff, v41;
	v45 =	vld [tilespmem:s25+$0x60]  }
0x113: {  	v46 =	vadd.s32 v2, v8;
	v25 =	vmul.f32 $8.000000000e+00, v63;
	[tilespmem:v36+s19+$0x0] =	vst.idx.msk $0xffff, v26;
	v47 =	vld [tilespmem:s25+$0xFFFFFFA0]  }
0x114: {  	v48 =	vadd.s32 v2, v13;
	v21 =	vadd.f32 v21, v4;
	v23 =	vmul.f32 $8.000000000e+00, v37;
	[tilespmem:v39+s19+$0x0] =	vst.idx.msk $0xffff, v44;
	v49 =	vld [tilespmem:s25+$0xFFFFFFE0]  }
0x115: {  	[tilespmem:v19+s19+$0x0] =	vst.idx.msk $0xffff, v24;
	v51 =	vadd.s32 v2, v11;
	v50 =	vadd.f32 v25, v5;
	v22 =	vmul.f32 $8.000000000e+00, v40;
	v52 =	vld [tilespmem:s25+$0x20]  }
0x116: {  	v54 =	vadd.s32 v2, v31;
	[tilespmem:v14+s19+$0x0] =	vst.idx.msk $0xffff, v21;
	v53 =	vadd.f32 v23, v5;
	v18 =	vmul.f32 $8.000000000e+00, v42  }
0x117: {  	v56 =	vadd.s32 v2, v12;
	[tilespmem:v43+s19+$0x0] =	vst.idx.msk $0xffff, v50;
	v55 =	vadd.f32 v22, v5;
	v10 =	vmul.f32 $8.000000000e+00, v45  }
0x118: {  	v60 =	vadd.s32 v2, v20;
	v57 =	vld [tilespmem:s24+$0x70];
	[tilespmem:v46+s19+$0x0] =	vst.idx.msk $0xffff, v53;
	v58 =	vadd.f32 v18, v5;
	v59 =	vmul.f32 $8.000000000e+00, v47  }
0x119: {  	v32 =	vadd.s32 v2, v35;
	[tilespmem:v48+s19+$0x0] =	vst.idx.msk $0xffff, v55;
	v61 =	vld [tilespmem:s24+$0xFFFFFFB0];
	v63 =	vmul.f32 $8.000000000e+00, v49;
	v62 =	vadd.f32 v10, v5  }
0x11a: {  	v33 =	vld [tilespmem:s24+$0xFFFFFFF0];
	[tilespmem:v51+s19+$0x0] =	vst.idx.msk $0xffff, v58;
	v36 =	vmul.f32 $8.000000000e+00, v52;
	v34 =	vadd.f32 v59, v5  }
0x11b: {  	v6 =	vadd.s32 v3, v6;
	v17 =	vmul.f32 $8.000000000e+00, v17;
	v24 =	vld [tilespmem:s24+$0x30];
	v37 =	vadd.f32 v63, v5;
	[tilespmem:v54+s19+$0x0] =	vst.idx.msk $0xffff, v62  }
0x11c: {  	v38 =	vmul.f32 $8.000000000e+00, v16;
	v39 =	vadd.s32 v3, v9;
	v5 =	vadd.f32 v36, v5;
	v40 =	vld [tilespmem:s25+$0x70];
	[tilespmem:v56+s19+$0x0] =	vst.idx.msk $0xffff, v34  }
0x11d: {  	v43 =	vmul.f32 $8.000000000e+00, v57;
	v42 =	vadd.s32 v3, v8;
	v41 =	vadd.f32 v17, v4;
	[tilespmem:v60+s19+$0x0] =	vst.idx.msk $0xffff, v37;
	v44 =	vld [tilespmem:s25+$0xFFFFFFB0]  }
0x11e: {  	v46 =	vadd.s32 v3, v13;
	v45 =	vadd.f32 v38, v4;
	v47 =	vmul.f32 $8.000000000e+00, v61;
	[tilespmem:v32+s19+$0x0] =	vst.idx.msk $0xffff, v5;
	v48 =	vld [tilespmem:s25+$0xFFFFFFF0]  }
0x11f: {  	v50 =	vmul.f32 $8.000000000e+00, v33;
	[tilespmem:v15+s19+$0x0] =	vst.idx.msk $0xffff, v41;
	v49 =	vadd.s32 v3, v11;
	v5 =	vadd.f32 v43, v4;
	v51 =	vld [tilespmem:s25+$0x30]  }
0x120: {  	[tilespmem:v6+s19+$0x0] =	vst.idx.msk $0xffff, v45;
	v52 =	vadd.f32 v47, v4;
	v53 =	vmul.f32 $8.000000000e+00, v24;
	v54 =	vadd.s32 v3, v31  }
0x121: {  	v55 =	vadd.s32 v3, v12;
	[tilespmem:v39+s19+$0x0] =	vst.idx.msk $0xffff, v5;
	v5 =	vadd.f32 v50, v4;
	v56 =	vmul.f32 $8.000000000e+00, v40  }
0x122: {  	v58 =	vadd.s32 v3, v20;
	[tilespmem:v42+s19+$0x0] =	vst.idx.msk $0xffff, v52;
	v57 =	vadd.f32 v53, v4;
	v59 =	vmul.f32 $8.000000000e+00, v44  }
0x123: {  	v60 =	vadd.s32 v3, v35;
	[tilespmem:v46+s19+$0x0] =	vst.idx.msk $0xffff, v5;
	v61 =	vmul.f32 $8.000000000e+00, v48;
	v5 =	vadd.f32 v56, v4  }
0x124: {  	[tilespmem:v49+s19+$0x0] =	vst.idx.msk $0xffff, v57;
	v63 =	vmul.f32 $8.000000000e+00, v51;
	v62 =	vadd.f32 v59, v4  }
0x125: {  	s23 =	sshll.u32 s23, $0x12;
	[tilespmem:v54+s19+$0x0] =	vst.idx.msk $0xffff, v5;
	v5 =	vadd.f32 v61, v4  }
0x126: {  	s23 =	sor.u32 s7, s23;
	v4 =	vadd.f32 v63, v4;
	[tilespmem:v55+s19+$0x0] =	vst.idx.msk $0xffff, v62  }
0x127: {  	s23 =	sshrl.u32 s23, $0x3;
	[tilespmem:v58+s19+$0x0] =	vst.idx.msk $0xffff, v5  }
0x128: {  	s24 =	sadd.s32 s2, s23;
	s25 =	simm.s32 $0xF800;
	[tilespmem:v60+s19+$0x0] =	vst.idx.msk $0xffff, v4  }
0x129: {  	[hbm4b:s24+s3] =	stream.linear.scatter [tilespmem:s25], [sflag:$0x4], $0x80, $0x38;
	[tilespmem:$0x11A00] =	vst v63  }
0x12a: {  	s26 =	simm.s32 $0xF888;
	s29 =	sadd.s32 $0x10, s24  }
0x12b: {  	[hbm4b:s29+s3] =	stream.linear.scatter [tilespmem:s26], [sflag:$0x4], $0x80, $0x38;
	[tilespmem:$0x11A00] =	vst v63  }
0x12c: {  	s30 =	simm.s32 $0xF910;
	s23 =	simm.s32 $0x440;
	s31 =	sadd.s32 $0x20, s24  }
0x12d: {  	[hbm4b:s31+s3] =	stream.linear.scatter [tilespmem:s30], [sflag:$0x4], $0x80, $0x38;
	[tilespmem:$0x11A00] =	vst v63  }
0x12e: {  	s28 =	sadd.s32 $0x70, s24;
	s26 =	simm.s32 $0xF998;
	s29 =	sadd.s32 $0x30, s24  }
0x12f: {  	[hbm4b:s29+s3] =	stream.linear.scatter [tilespmem:s26], [sflag:$0x4], $0x80, $0x38;
	[tilespmem:$0x11A00] =	vst v63  }
0x130: {  	s25 =	simm.s32 $0x2200;
	s30 =	simm.s32 $0xFA20;
	s31 =	sadd.s32 $0x40, s24  }
0x131: {  	[hbm4b:s31+s3] =	stream.linear.scatter [tilespmem:s30], [sflag:$0x4], $0x80, $0x38;
	[tilespmem:$0x11A00] =	vst v63  }
0x132: {  	s26 =	simm.s32 $0xFAA8;
	s29 =	sadd.s32 $0x50, s24;
	s30 =	simm.s32 $0xFB30  }
0x133: {  	[hbm4b:s29+s3] =	stream.linear.scatter [tilespmem:s26], [sflag:$0x4], $0x80, $0x38;
	[tilespmem:$0x11A00] =	vst v63  }
0x134: {  	s31 =	sadd.s32 $0x60, s24;
	s24 =	sadd.s32 $0x1000, s24;
	s26 =	simm.s32 $0xFBB8  }
0x135: {  	[hbm4b:s31+s3] =	stream.linear.scatter [tilespmem:s30], [sflag:$0x4], $0x80, $0x38;
	[tilespmem:$0x11A00] =	vst v63  }
.LBB2_13:
0x136: {  	[hbm4b:s28+s3] =	stream.linear.scatter [tilespmem:s26], [sflag:$0x4], $0x80, $0x38;
	[tilespmem:$0x11A00] =	vst v63  }
0x137: {  	s26 =	smov.u32 s23;
	s23 =	smov.u32 s25  }
0x138: {  	s29 =	sadd.s32 $0x1100, s25;
	s23 =	sshra.s32 s23, $0x2;
	s28 =	sadd.s32 $0xF800, s26  }
0x139: {  	[hbm4b:s24+s3] =	stream.linear.scatter [tilespmem:s28], [sflag:$0x4], $0x80, $0x38;
	[tilespmem:$0x11A00] =	vst v63  }
0x13a: {  	p0 =	sne.s32 s25, $0x7700;
	s25 =	sadd.s32 $0xF888, s26;
	s28 =	sadd.s32 $0x10, s24  }
0x13b: {  	[hbm4b:s28+s3] =	stream.linear.scatter [tilespmem:s25], [sflag:$0x4], $0x80, $0x38;
	[tilespmem:$0x11A00] =	vst v63  }
0x13c: {  	s25 =	sadd.s32 $0xF910, s26;
	s28 =	sadd.s32 $0x20, s24  }
0x13d: {  	[hbm4b:s28+s3] =	stream.linear.scatter [tilespmem:s25], [sflag:$0x4], $0x80, $0x38;
	[tilespmem:$0x11A00] =	vst v63  }
0x13e: {  	s25 =	sadd.s32 $0xF998, s26;
	s28 =	sadd.s32 $0x30, s24  }
0x13f: {  	[hbm4b:s28+s3] =	stream.linear.scatter [tilespmem:s25], [sflag:$0x4], $0x80, $0x38;
	[tilespmem:$0x11A00] =	vst v63  }
0x140: {  	s25 =	sadd.s32 $0xFA20, s26;
	s28 =	sadd.s32 $0x40, s24  }
0x141: {  	[hbm4b:s28+s3] =	stream.linear.scatter [tilespmem:s25], [sflag:$0x4], $0x80, $0x38;
	[tilespmem:$0x11A00] =	vst v63  }
.Ltmp6:
0x142: {  	s25 =	sadd.s32 $0xFAA8, s26;
	s28 =	sadd.s32 $0x50, s24;
	(pc) =	sbr.rel @p0 .LBB2_13-.Ltmp6, $4  }
0x143: {  	[hbm4b:s28+s3] =	stream.linear.scatter [tilespmem:s25], [sflag:$0x4], $0x80, $0x38;
	[tilespmem:$0x11A00] =	vst v63  }
0x144: {  	s25 =	sadd.s32 $0xFB30, s26;
	s28 =	sadd.s32 $0x60, s24;
	s26 =	sadd.s32 $0xFBB8, s26  }
0x145: {  	[hbm4b:s28+s3] =	stream.linear.scatter [tilespmem:s25], [sflag:$0x4], $0x80, $0x38;
	[tilespmem:$0x11A00] =	vst v63  }
0x146: {  	s28 =	sadd.s32 $0x70, s24;
	s24 =	sadd.s32 $0x1000, s24;
	s25 =	smov.u32 s29  }
0x147: {  	[hbm4b:s28+s3] =	stream.linear.scatter [tilespmem:s26], [sflag:$0x4], $0x80, $0x38;
	[tilespmem:$0x11A00] =	vst v63  }
0x148: {  	s25 =	sadd.s32 $0xF800, s23  }
0x149: {  	[hbm4b:s24+s3] =	stream.linear.scatter [tilespmem:s25], [sflag:$0x4], $0x80, $0x38;
	[tilespmem:$0x11A00] =	vst v63  }
0x14a: {  	s30 =	sadd.s32 $0xF888, s23;
	s31 =	sadd.s32 $0x10, s24  }
0x14b: {  	[hbm4b:s31+s3] =	stream.linear.scatter [tilespmem:s30], [sflag:$0x4], $0x80, $0x38;
	[tilespmem:$0x11A00] =	vst v63  }
0x14c: {  	s28 =	sadd.s32 $0xF910, s23;
	s29 =	sadd.s32 $0x20, s24  }
0x14d: {  	[hbm4b:s29+s3] =	stream.linear.scatter [tilespmem:s28], [sflag:$0x4], $0x80, $0x38;
	[tilespmem:$0x11A00] =	vst v63  }
0x14e: {  	s30 =	sadd.s32 $0xF998, s23;
	s31 =	sadd.s32 $0x30, s24  }
0x14f: {  	[hbm4b:s31+s3] =	stream.linear.scatter [tilespmem:s30], [sflag:$0x4], $0x80, $0x38;
	[tilespmem:$0x11A00] =	vst v63  }
0x150: {  	s22 =	sadd.s32 $0x1, s22;
	s28 =	sadd.s32 $0xFA20, s23;
	s29 =	sadd.s32 $0x40, s24  }
0x151: {  	[hbm4b:s29+s3] =	stream.linear.scatter [tilespmem:s28], [sflag:$0x4], $0x80, $0x38;
	[tilespmem:$0x11A00] =	vst v63  }
0x152: {  	p0 =	sne.s32 s22, $0x64;
	s30 =	sadd.s32 $0xFAA8, s23;
	s31 =	sadd.s32 $0x50, s24  }
0x153: {  	[hbm4b:s31+s3] =	stream.linear.scatter [tilespmem:s30], [sflag:$0x4], $0x80, $0x38;
	[tilespmem:$0x11A00] =	vst v63  }
.Ltmp7:
0x154: {  	_ = 	snop;
	(pc) =	sbr.rel @p0 .LBB2_2-.Ltmp7, $4  }
0x155: {  	s28 =	sadd.s32 $0xFB30, s23;
	s29 =	sadd.s32 $0x60, s24  }
0x156: {  	[hbm4b:s29+s3] =	stream.linear.scatter [tilespmem:s28], [sflag:$0x4], $0x80, $0x38;
	[tilespmem:$0x11A00] =	vst v63  }
0x157: {  	s30 =	sadd.s32 $0xFBB8, s23;
	s31 =	sadd.s32 $0x70, s24  }
0x158: {  	[hbm4b:s31+s3] =	stream.linear.scatter [tilespmem:s30], [sflag:$0x4], $0x80, $0x38;
	[tilespmem:$0x11A00] =	vst v63  }
0x159: {  	s21 =	sadd.s32 $0x1, s21  }
0x15a: {  	_ =	swait.ge [sflag:s20], $0x2000;
	p0 =	sne.s32 s21, s8  }
.Ltmp8:
0x15b: {  	[sflag:s20] =	ssyncset.done $0x0;
	(pc) =	sbr.rel @p0 .LBB2_1-.Ltmp8, $4  }
0x15c: {  	[sflag:s20] =	ssyncadd.s32 $0xFFFFE000  }
0x15d: {  	_ =	swait.ge [sflag:s18], $0x2000  }
0x15e: {  	[sflag:s18] =	ssyncset.done $0x0  }
0x15f: {  	[sflag:s18] =	ssyncadd.s32 $0xFFFFE000  }
0x160: {  	_ =	sfence.sel $0x180000  }
0x161: {  	[bflag:$0x0] =	sbarrier.arrive $0xFFFF  }
0x162: {  	p0 =	sne.s32 s1, $0x0;
	_ =	strace $0x90000047  }
0x163: {  	s0 =	sadd.s32 @!p0 $0x100000, s0;
	[bflag:$0x2] =	sbarrier.arrive $0xFFFF  }
0x164: {  	[sflag:s0] =	ssyncadd.tile.s32 @!p0 $0x1;
	_ =	shalt  }
.Lfunc_end2:
_tile_overlayer_lowered:
.L_overlay_start_2:
0x165: {  	(tag) =	ssettag $0x2  }
0x166: {  	s0 =	rddreg [dreg:$0x0];
	s2 =	stileid.u32  }
0x167: {  	s1 =	rddreg [dreg:$0x1];
	p0 =	sne.s32 s2, $0x0  }
0x168: {  	s3 =	rddreg [dreg:$0x2];
	[bflag:$0x3] =	sbarrier.arrive $0xFFFF;
	s2 =	simm.s32 @!p0 $0x1C05  }
0x169: {  	[timem:s3], [sflag:s2] =	dma.local @!p0 [hbm:s0], s1  }
0x16a: {  	s0 =	simm.s32 @!p0 $0x5  }
0x16b: {  	_ =	swait.ge @!p0 [sflag:s0], s1  }
0x16c: {  	s1 =	ssub.s32 @!p0 $0x0, s1;
	[sflag:s0] =	ssyncset.done @!p0 $0x0  }
0x16d: {  	[sflag:s0] =	ssyncadd.s32 @!p0 s1  }
0x16e: {  	[bflag:$0x3] =	sbarrier.arrive $0xFFFF  }
0x16f: {  	_ =	shalt  }

</sc_bundles>
